<compile_context>
chip_gen: v7x
topology: tpu7x:2x2x1
jax: 0.10.2.dev20260603
libtpu: 0.0.44.dev20260713+nightly
codegen_flags: <defaults>
</compile_context>

<pallas_src>
import functools

import jax
import jax.numpy as jnp
from jax import lax
from jax.experimental import pallas as pl
from jax.experimental.pallas import tpu as pltpu
from jax.experimental.pallas import tpu_sc as plsc

B = 16384
D = 128


_NC = 2
_NS = 16
_NW = _NC * _NS
_CHUNK = 128
_NSEG = 2
_SEG = B // _NSEG
_CHUNKS_PER_W = _SEG // _NW // _CHUNK


def _sc_gather_body(seg, uids_hbm, mids_hbm, ut_hbm, mt_hbm,
                    uout_hbm, mout_hbm,
                    idxu, idxm, buf0, buf1, buf2, buf3, gsem, wsem):
    wid = lax.axis_index("s") * _NC + lax.axis_index("c")
    row0 = seg * (_SEG // _CHUNK) + wid * _CHUNKS_PER_W

    pltpu.sync_copy(uids_hbm.at[pl.ds(row0, _CHUNKS_PER_W)], idxu)
    pltpu.sync_copy(mids_hbm.at[pl.ds(row0, _CHUNKS_PER_W)], idxm)

    bufs = (buf0, buf1, buf2, buf3)
    rounds = []
    for tbl, idx, out in ((ut_hbm, idxu, uout_hbm), (mt_hbm, idxm, mout_hbm)):
        for g in range(_CHUNKS_PER_W):
            rounds.append((tbl, idx, g, out))

    gathers = [
        pltpu.async_copy(tbl.at[idx.at[g]], bufs[r], gsem)
        for r, (tbl, idx, g, _) in enumerate(rounds)
    ]
    writes = []
    for r, (_, _, g, out) in enumerate(rounds):
        gathers[r].wait()
        orow = (wid * _CHUNKS_PER_W + g) * _CHUNK
        writes.append(
            pltpu.async_copy(bufs[r], out.at[pl.ds(orow, _CHUNK)], wsem))
    for w in writes:
        w.wait()


def _sc_gather(seg, uids2d, mids2d, user_table, movie_table):
    mesh = plsc.VectorSubcoreMesh(core_axis_name="c", subcore_axis_name="s")
    k = functools.partial(
        pl.kernel,
        mesh=mesh,
        out_type=[
            jax.ShapeDtypeStruct((_SEG, D), jnp.float32),
            jax.ShapeDtypeStruct((_SEG, D), jnp.float32),
        ],
        scratch_types=[
            pltpu.VMEM((_CHUNKS_PER_W, _CHUNK), jnp.int32),
            pltpu.VMEM((_CHUNKS_PER_W, _CHUNK), jnp.int32),
            pltpu.VMEM((_CHUNK, D), jnp.float32),
            pltpu.VMEM((_CHUNK, D), jnp.float32),
            pltpu.VMEM((_CHUNK, D), jnp.float32),
            pltpu.VMEM((_CHUNK, D), jnp.float32),
            pltpu.SemaphoreType.DMA,
            pltpu.SemaphoreType.DMA,
        ],
    )(functools.partial(_sc_gather_body, seg))
    return k(uids2d, mids2d, user_table, movie_table)



_BB = 4096
_OR = _BB // 128


def _dense_body(f_ref, u_ref, m_ref,
                gw_ref, gb_ref, ow_ref, ob_ref, at_ref, gt_ref,
                w1_ref, b1_ref, w2_ref, b2_ref, w3_ref, b3_ref, out_ref):
    f32 = jnp.float32
    dn = (((1,), (1,)), ((), ()))

    x = f_ref[...].astype(f32)
    g = jax.nn.relu(
        lax.dot_general(x[:, 0:18], gw_ref[...], dn, preferred_element_type=f32)
        + gb_ref[...])
    o = jax.nn.relu(
        lax.dot_general(x[:, 18:39], ow_ref[...], dn, preferred_element_type=f32)
        + ob_ref[...])
    oh16 = x[:, 39:55]

    w1 = w1_ref[...]
    ta = lax.dot_general(at_ref[...], w1[:, 4 * D:5 * D], dn,
                         preferred_element_type=f32)
    tg = lax.dot_general(gt_ref[...], w1[:, 5 * D:6 * D], dn,
                         preferred_element_type=f32)
    t16 = jnp.concatenate((ta, tg), axis=0)
    ag = lax.dot_general(oh16, t16, (((1,), (0,)), ((), ())),
                         preferred_element_type=f32)

    bf16 = jnp.bfloat16
    x4 = jnp.concatenate((u_ref[...], m_ref[...], g, o), axis=1).astype(bf16)
    h1 = jax.nn.relu(
        lax.dot_general(x4, w1[:, 0:4 * D].astype(bf16), dn,
                        preferred_element_type=f32)
        + ag + b1_ref[...])
    h2 = jax.nn.relu(
        lax.dot_general(h1.astype(bf16), w2_ref[...].astype(bf16), dn,
                        preferred_element_type=f32)
        + b2_ref[...])
    w3 = w3_ref[...]
    rows = [
        lax.dot_general(w3, h2[r * 128:(r + 1) * 128, :], dn,
                        preferred_element_type=f32)
        for r in range(_OR)
    ]
    out_ref[...] = jnp.concatenate(rows, axis=0) + b3_ref[0, 0]


def _dense_call(seg, features, u, m, gw, gb2d, ow, ob2d,
                at8, gt8, w1, b12d, w2, b22d, w3, b32d):
    grid = (_SEG // _BB,)
    off = seg * (_SEG // _BB)

    def seg_row(i):
        return (off + i, 0)

    def row(i):
        return (i, 0)

    def full(i):
        return (0, 0)

    in_specs = [
        pl.BlockSpec((_BB, 55), seg_row),
        pl.BlockSpec((_BB, D), row),
        pl.BlockSpec((_BB, D), row),
        pl.BlockSpec((D, 18), full),
        pl.BlockSpec((1, D), full),
        pl.BlockSpec((D, 21), full),
        pl.BlockSpec((1, D), full),
        pl.BlockSpec((8, D), full),
        pl.BlockSpec((8, D), full),
        pl.BlockSpec((256, 6 * D), full),
        pl.BlockSpec((1, 256), full),
        pl.BlockSpec((D, 256), full),
        pl.BlockSpec((1, D), full),
        pl.BlockSpec((1, D), full),
        pl.BlockSpec(memory_space=pltpu.SMEM),
    ]
    out_spec = pl.BlockSpec((_OR, 128), row)
    return pl.pallas_call(
        _dense_body,
        grid=grid,
        in_specs=in_specs,
        out_specs=out_spec,
        out_shape=jax.ShapeDtypeStruct((_SEG // 128, 128), jnp.float32),
    )(features, u, m, gw, gb2d, ow, ob2d,
      at8, gt8, w1, b12d, w2, b22d, w3, b32d)


def kernel(user_ids, movie_ids, genres, occupations, ages, genders,
           user_table, movie_table, age_table, gender_table,
           genre_W, genre_b, occ_W, occ_b,
           fc1_W, fc1_b, fc2_W, fc2_b, fc3_W, fc3_b):
    uids2d = user_ids.astype(jnp.int32).reshape(B // _CHUNK, _CHUNK)
    mids2d = movie_ids.astype(jnp.int32).reshape(B // _CHUNK, _CHUNK)

    features = jnp.concatenate(
        (genres.astype(jnp.bfloat16), occupations.astype(jnp.bfloat16),
         jax.nn.one_hot(ages, 8, dtype=jnp.bfloat16),
         jax.nn.one_hot(genders, 8, dtype=jnp.bfloat16)), axis=1)
    at8 = jnp.pad(age_table, ((0, 1), (0, 0)))
    gt8 = jnp.pad(gender_table, ((0, 6), (0, 0)))

    gathered = [
        _sc_gather(s, uids2d, mids2d, user_table, movie_table)
        for s in range(_NSEG)
    ]
    outs = [
        _dense_call(
            s, features, gathered[s][0], gathered[s][1],
            genre_W, genre_b.reshape(1, D), occ_W, occ_b.reshape(1, D),
            at8, gt8,
            fc1_W, fc1_b.reshape(1, 256), fc2_W, fc2_b.reshape(1, D),
            fc3_W, fc3_b.reshape(1, 1),
        )
        for s in range(_NSEG)
    ]
    return jnp.concatenate(outs, axis=0).reshape(B)

# --- scband reference (transcript-rebuilt; emitter-appended) ---
"""Pipeline reference for scband-expanded-recommender-72945724555365 (READ-ONLY COPY).

The authoritative reference and input builder live on the scoring server;
editing this copy changes nothing except your own understanding.
"""

import jax, jax.numpy as jnp
import numpy as np

B = 16384
D = 128
NU = 100000
NM = 100000 + 1
NG = 18
NO = 21
NA = 7
NGD = 2


def setup_inputs(seed: int = 0) -> dict:
    key = jax.random.key(seed)
    ks = [jax.random.fold_in(key, i) for i in range(32)]
    inp = {}
    inp['user_ids'] = jax.random.randint(ks[0], (B,), 0, NU, dtype=jnp.int64 if jax.config.jax_enable_x64 else jnp.int32)
    inp['movie_ids'] = jax.random.randint(ks[1], (B,), 0, NM, dtype=jnp.int64 if jax.config.jax_enable_x64 else jnp.int32)
    inp['genres'] = jax.random.uniform(ks[2], (B, NG), dtype=jnp.float32)
    inp['occupations'] = jax.random.uniform(ks[3], (B, NO), dtype=jnp.float32)
    inp['ages'] = jax.random.randint(ks[4], (B,), 0, NA, dtype=jnp.int64 if jax.config.jax_enable_x64 else jnp.int32)
    inp['genders'] = jax.random.randint(ks[5], (B,), 0, NGD, dtype=jnp.int64 if jax.config.jax_enable_x64 else jnp.int32)
    # learned parameters
    inp['user_table'] = jax.random.normal(ks[6], (NU, D), dtype=jnp.float32)
    inp['movie_table'] = jax.random.normal(ks[7], (NM, D), dtype=jnp.float32)
    inp['age_table'] = jax.random.normal(ks[8], (NA, D), dtype=jnp.float32)
    inp['gender_table'] = jax.random.normal(ks[9], (NGD, D), dtype=jnp.float32)
    inp['genre_W'] = jax.random.normal(ks[10], (D, NG), dtype=jnp.float32) * (1.0 / np.sqrt(NG))
    inp['genre_b'] = jnp.zeros((D,), dtype=jnp.float32)
    inp['occ_W'] = jax.random.normal(ks[11], (D, NO), dtype=jnp.float32) * (1.0 / np.sqrt(NO))
    inp['occ_b'] = jnp.zeros((D,), dtype=jnp.float32)
    inp['fc1_W'] = jax.random.normal(ks[12], (256, D * 6), dtype=jnp.float32) * (1.0 / np.sqrt(D * 6))
    inp['fc1_b'] = jnp.zeros((256,), dtype=jnp.float32)
    inp['fc2_W'] = jax.random.normal(ks[13], (128, 256), dtype=jnp.float32) * (1.0 / np.sqrt(256))
    inp['fc2_b'] = jnp.zeros((128,), dtype=jnp.float32)
    inp['fc3_W'] = jax.random.normal(ks[14], (1, 128), dtype=jnp.float32) * (1.0 / np.sqrt(128))
    inp['fc3_b'] = jnp.zeros((1,), dtype=jnp.float32)
    return inp


def reference(user_ids, movie_ids, genres, occupations, ages, genders,
              user_table, movie_table, age_table, gender_table,
              genre_W, genre_b, occ_W, occ_b,
              fc1_W, fc1_b, fc2_W, fc2_b, fc3_W, fc3_b):
    user_embedded = jnp.take(user_table, user_ids, axis=0)
    movie_embedded = jnp.take(movie_table, movie_ids, axis=0)
    age_embedded = jnp.take(age_table, ages, axis=0)
    gender_embedded = jnp.take(gender_table, genders, axis=0)
    genre_embedded = jax.nn.relu(genres.astype(jnp.float32) @ genre_W.T + genre_b)
    occupation_embedded = jax.nn.relu(occupations.astype(jnp.float32) @ occ_W.T + occ_b)
    x = jnp.concatenate((user_embedded, movie_embedded, genre_embedded,
                         occupation_embedded, age_embedded, gender_embedded), axis=1)
    x = jax.nn.relu(x @ fc1_W.T + fc1_b)
    x = jax.nn.relu(x @ fc2_W.T + fc2_b)
    x = x @ fc3_W.T + fc3_b
    return jnp.squeeze(x)

if __name__ == "__main__":
    import jax
    _d = setup_inputs()
    print(jax.jit(kernel)(*tuple(_d.values())))

</pallas_src>

<mosaic_0001>
#map = affine_map<(d0, d1) -> (0, 0)>
module attributes {stable_mosaic.version = 14 : i64} {
  func.func @_sc_gather_body(%arg0: i32, %arg1: i32, %arg2: memref<128x128xi32, #tpu.memory_space<hbm>>, %arg3: memref<128x128xi32, #tpu.memory_space<hbm>>, %arg4: memref<100000x128xf32, #tpu.memory_space<hbm>>, %arg5: memref<100001x128xf32, #tpu.memory_space<hbm>>, %arg6: memref<8192x128xf32, #tpu.memory_space<hbm>>, %arg7: memref<8192x128xf32, #tpu.memory_space<hbm>>, %arg8: memref<2x128xi32, #tpu.memory_space<vmem>>, %arg9: memref<2x128xi32, #tpu.memory_space<vmem>>, %arg10: memref<128x128xf32, #tpu.memory_space<vmem>>, %arg11: memref<128x128xf32, #tpu.memory_space<vmem>>, %arg12: memref<128x128xf32, #tpu.memory_space<vmem>>, %arg13: memref<128x128xf32, #tpu.memory_space<vmem>>, %arg14: memref<!tpu.dma_semaphore, #tpu.memory_space<semaphore_mem>>, %arg15: memref<!tpu.dma_semaphore, #tpu.memory_space<semaphore_mem>>) attributes {dimension_semantics = [#tpu.dimension_semantics<core_parallel>, #tpu.dimension_semantics<subcore_parallel>], iteration_bounds = array<i64: 2, 16>, scalar_prefetch = 0 : i64, scratch_operands = 8 : i64, tpu.core_type = #tpu.core_type<sc_vector_subcore>, window_params = [{transform_indices = #map}, {transform_indices = #map}, {transform_indices = #map}, {transform_indices = #map}, {transform_indices = #map}, {transform_indices = #map}]} {
    %mul3A = arith.constant 2 : i32
    %mul3A_0 = arith.muli %arg1, %mul3A : i32
    %add3A = arith.addi %mul3A_0, %arg0 : i32
    %mul3A_1 = arith.constant 2 : i32
    %mul3A_2 = arith.muli %add3A, %mul3A_1 : i32
    %add3A_3 = arith.constant 0 : i32
    %add3A_4 = arith.addi %add3A_3, %mul3A_2 : i32
    "tpu.region"() ({
      %run_scoped3A = tpu.sem_alloc : memref<!tpu.dma_semaphore, #tpu.memory_space<semaphore_mem>>
      %dma_start3A_115 = arith.constant 0 : i32
      %dma_start3A_116 = tpu.memref_slice %arg2[%add3A_4, %dma_start3A_115] : memref<128x128xi32, #tpu.memory_space<hbm>> -> memref<2x128xi32, #tpu.memory_space<hbm>>
      %dma_start3A_117 = arith.constant 0 : i32
      %dma_start3A_118 = tpu.memref_slice %arg2[%add3A_4, %dma_start3A_117] : memref<128x128xi32, #tpu.memory_space<hbm>> -> memref<2x128xi32, #tpu.memory_space<hbm>>
      tpu.enqueue_dma source(%dma_start3A_118 : memref<2x128xi32, #tpu.memory_space<hbm>>) target(%arg8 : memref<2x128xi32, #tpu.memory_space<vmem>>) target_semaphore(%run_scoped3A : memref<!tpu.dma_semaphore, #tpu.memory_space<semaphore_mem>>)
      %dma_wait3A_119 = arith.constant 0 : i32
      %dma_wait3A_120 = tpu.memref_slice %arg2[%add3A_4, %dma_wait3A_119] : memref<128x128xi32, #tpu.memory_space<hbm>> -> memref<2x128xi32, #tpu.memory_space<hbm>>
      %dma_wait3A_121 = arith.constant 0 : i32
      %dma_wait3A_122 = tpu.memref_slice %arg2[%add3A_4, %dma_wait3A_121] : memref<128x128xi32, #tpu.memory_space<hbm>> -> memref<2x128xi32, #tpu.memory_space<hbm>>
      tpu.wait_dma2 semaphore(%run_scoped3A : memref<!tpu.dma_semaphore, #tpu.memory_space<semaphore_mem>>) src(%dma_wait3A_122 : memref<2x128xi32, #tpu.memory_space<hbm>>) dst(%arg8 : memref<2x128xi32, #tpu.memory_space<vmem>>)
      tpu.yield
    }) : () -> ()
    "tpu.region"() ({
      %run_scoped3A = tpu.sem_alloc : memref<!tpu.dma_semaphore, #tpu.memory_space<semaphore_mem>>
      %dma_start3A_115 = arith.constant 0 : i32
      %dma_start3A_116 = tpu.memref_slice %arg3[%add3A_4, %dma_start3A_115] : memref<128x128xi32, #tpu.memory_space<hbm>> -> memref<2x128xi32, #tpu.memory_space<hbm>>
      %dma_start3A_117 = arith.constant 0 : i32
      %dma_start3A_118 = tpu.memref_slice %arg3[%add3A_4, %dma_start3A_117] : memref<128x128xi32, #tpu.memory_space<hbm>> -> memref<2x128xi32, #tpu.memory_space<hbm>>
      tpu.enqueue_dma source(%dma_start3A_118 : memref<2x128xi32, #tpu.memory_space<hbm>>) target(%arg9 : memref<2x128xi32, #tpu.memory_space<vmem>>) target_semaphore(%run_scoped3A : memref<!tpu.dma_semaphore, #tpu.memory_space<semaphore_mem>>)
      %dma_wait3A_119 = arith.constant 0 : i32
      %dma_wait3A_120 = tpu.memref_slice %arg3[%add3A_4, %dma_wait3A_119] : memref<128x128xi32, #tpu.memory_space<hbm>> -> memref<2x128xi32, #tpu.memory_space<hbm>>
      %dma_wait3A_121 = arith.constant 0 : i32
      %dma_wait3A_122 = tpu.memref_slice %arg3[%add3A_4, %dma_wait3A_121] : memref<128x128xi32, #tpu.memory_space<hbm>> -> memref<2x128xi32, #tpu.memory_space<hbm>>
      tpu.wait_dma2 semaphore(%run_scoped3A : memref<!tpu.dma_semaphore, #tpu.memory_space<semaphore_mem>>) src(%dma_wait3A_122 : memref<2x128xi32, #tpu.memory_space<hbm>>) dst(%arg9 : memref<2x128xi32, #tpu.memory_space<vmem>>)
      tpu.yield
    }) : () -> ()
    %dma_start3A = arith.constant 0 : i32
    %dma_start3A_5 = arith.constant 0 : i32
    %dma_start3A_6 = tpu.memref_slice %arg8[%dma_start3A, %dma_start3A_5] : memref<2x128xi32, #tpu.memory_space<vmem>> -> memref<1x128xi32, #tpu.memory_space<vmem>>
    %dma_start3A_7 = tpu.memref_squeeze %dma_start3A_6 : memref<1x128xi32, #tpu.memory_space<vmem>> -> memref<128xi32, #tpu.memory_space<vmem>>
    %dma_start3A_8 = arith.constant 0 : i32
    %dma_start3A_9 = arith.constant 0 : i32
    %dma_start3A_10 = tpu.memref_slice %arg4[%dma_start3A_8, %dma_start3A_9] : memref<100000x128xf32, #tpu.memory_space<hbm>> -> memref<100000x128xf32, #tpu.memory_space<hbm>>
    tpu.enqueue_indirect_dma source(%dma_start3A_10 : memref<100000x128xf32, #tpu.memory_space<hbm>>) target(%arg10 : memref<128x128xf32, #tpu.memory_space<vmem>>) offsets(%dma_start3A_7 : memref<128xi32, #tpu.memory_space<vmem>>) semaphore(%arg14 : memref<!tpu.dma_semaphore, #tpu.memory_space<semaphore_mem>>)
    %dma_start3A_11 = arith.constant 1 : i32
    %dma_start3A_12 = arith.constant 0 : i32
    %dma_start3A_13 = tpu.memref_slice %arg8[%dma_start3A_11, %dma_start3A_12] : memref<2x128xi32, #tpu.memory_space<vmem>> -> memref<1x128xi32, #tpu.memory_space<vmem>>
    %dma_start3A_14 = tpu.memref_squeeze %dma_start3A_13 : memref<1x128xi32, #tpu.memory_space<vmem>> -> memref<128xi32, #tpu.memory_space<vmem>>
    %dma_start3A_15 = arith.constant 0 : i32
    %dma_start3A_16 = arith.constant 0 : i32
    %dma_start3A_17 = tpu.memref_slice %arg4[%dma_start3A_15, %dma_start3A_16] : memref<100000x128xf32, #tpu.memory_space<hbm>> -> memref<100000x128xf32, #tpu.memory_space<hbm>>
    tpu.enqueue_indirect_dma source(%dma_start3A_17 : memref<100000x128xf32, #tpu.memory_space<hbm>>) target(%arg11 : memref<128x128xf32, #tpu.memory_space<vmem>>) offsets(%dma_start3A_14 : memref<128xi32, #tpu.memory_space<vmem>>) semaphore(%arg14 : memref<!tpu.dma_semaphore, #tpu.memory_space<semaphore_mem>>)
    %dma_start3A_18 = arith.constant 0 : i32
    %dma_start3A_19 = arith.constant 0 : i32
    %dma_start3A_20 = tpu.memref_slice %arg9[%dma_start3A_18, %dma_start3A_19] : memref<2x128xi32, #tpu.memory_space<vmem>> -> memref<1x128xi32, #tpu.memory_space<vmem>>
    %dma_start3A_21 = tpu.memref_squeeze %dma_start3A_20 : memref<1x128xi32, #tpu.memory_space<vmem>> -> memref<128xi32, #tpu.memory_space<vmem>>
    %dma_start3A_22 = arith.constant 0 : i32
    %dma_start3A_23 = arith.constant 0 : i32
    %dma_start3A_24 = tpu.memref_slice %arg5[%dma_start3A_22, %dma_start3A_23] : memref<100001x128xf32, #tpu.memory_space<hbm>> -> memref<100001x128xf32, #tpu.memory_space<hbm>>
    tpu.enqueue_indirect_dma source(%dma_start3A_24 : memref<100001x128xf32, #tpu.memory_space<hbm>>) target(%arg12 : memref<128x128xf32, #tpu.memory_space<vmem>>) offsets(%dma_start3A_21 : memref<128xi32, #tpu.memory_space<vmem>>) semaphore(%arg14 : memref<!tpu.dma_semaphore, #tpu.memory_space<semaphore_mem>>)
    %dma_start3A_25 = arith.constant 1 : i32
    %dma_start3A_26 = arith.constant 0 : i32
    %dma_start3A_27 = tpu.memref_slice %arg9[%dma_start3A_25, %dma_start3A_26] : memref<2x128xi32, #tpu.memory_space<vmem>> -> memref<1x128xi32, #tpu.memory_space<vmem>>
    %dma_start3A_28 = tpu.memref_squeeze %dma_start3A_27 : memref<1x128xi32, #tpu.memory_space<vmem>> -> memref<128xi32, #tpu.memory_space<vmem>>
    %dma_start3A_29 = arith.constant 0 : i32
    %dma_start3A_30 = arith.constant 0 : i32
    %dma_start3A_31 = tpu.memref_slice %arg5[%dma_start3A_29, %dma_start3A_30] : memref<100001x128xf32, #tpu.memory_space<hbm>> -> memref<100001x128xf32, #tpu.memory_space<hbm>>
    tpu.enqueue_indirect_dma source(%dma_start3A_31 : memref<100001x128xf32, #tpu.memory_space<hbm>>) target(%arg13 : memref<128x128xf32, #tpu.memory_space<vmem>>) offsets(%dma_start3A_28 : memref<128xi32, #tpu.memory_space<vmem>>) semaphore(%arg14 : memref<!tpu.dma_semaphore, #tpu.memory_space<semaphore_mem>>)
    %dma_wait3A = arith.constant 0 : i32
    %dma_wait3A_32 = arith.constant 0 : i32
    %dma_wait3A_33 = tpu.memref_slice %arg8[%dma_wait3A, %dma_wait3A_32] : memref<2x128xi32, #tpu.memory_space<vmem>> -> memref<1x128xi32, #tpu.memory_space<vmem>>
    %dma_wait3A_34 = tpu.memref_squeeze %dma_wait3A_33 : memref<1x128xi32, #tpu.memory_space<vmem>> -> memref<128xi32, #tpu.memory_space<vmem>>
    %dma_wait3A_35 = arith.constant 0 : i32
    %dma_wait3A_36 = arith.constant 0 : i32
    %dma_wait3A_37 = tpu.memref_slice %arg4[%dma_wait3A_35, %dma_wait3A_36] : memref<100000x128xf32, #tpu.memory_space<hbm>> -> memref<100000x128xf32, #tpu.memory_space<hbm>>
    tpu.wait_indirect_dma semaphore(%arg14 : memref<!tpu.dma_semaphore, #tpu.memory_space<semaphore_mem>>) src(%dma_wait3A_37 : memref<100000x128xf32, #tpu.memory_space<hbm>>) dst(%arg10 : memref<128x128xf32, #tpu.memory_space<vmem>>)
    %mul3A_38 = arith.constant 2 : i32
    %mul3A_39 = arith.muli %add3A, %mul3A_38 : i32
    %add3A_40 = arith.constant 0 : i32
    %add3A_41 = arith.addi %mul3A_39, %add3A_40 : i32
    %mul3A_42 = arith.constant 128 : i32
    %mul3A_43 = arith.muli %add3A_41, %mul3A_42 : i32
    %dma_start3A_44 = arith.constant 0 : i32
    %dma_start3A_45 = tpu.memref_slice %arg6[%mul3A_43, %dma_start3A_44] : memref<8192x128xf32, #tpu.memory_space<hbm>> -> memref<128x128xf32, #tpu.memory_space<hbm>>
    %dma_start3A_46 = arith.constant 0 : i32
    %dma_start3A_47 = tpu.memref_slice %arg6[%mul3A_43, %dma_start3A_46] : memref<8192x128xf32, #tpu.memory_space<hbm>> -> memref<128x128xf32, #tpu.memory_space<hbm>>
    tpu.enqueue_dma source(%arg10 : memref<128x128xf32, #tpu.memory_space<vmem>>) target(%dma_start3A_47 : memref<128x128xf32, #tpu.memory_space<hbm>>) target_semaphore(%arg15 : memref<!tpu.dma_semaphore, #tpu.memory_space<semaphore_mem>>)
    %dma_wait3A_48 = arith.constant 1 : i32
    %dma_wait3A_49 = arith.constant 0 : i32
    %dma_wait3A_50 = tpu.memref_slice %arg8[%dma_wait3A_48, %dma_wait3A_49] : memref<2x128xi32, #tpu.memory_space<vmem>> -> memref<1x128xi32, #tpu.memory_space<vmem>>
    %dma_wait3A_51 = tpu.memref_squeeze %dma_wait3A_50 : memref<1x128xi32, #tpu.memory_space<vmem>> -> memref<128xi32, #tpu.memory_space<vmem>>
    %dma_wait3A_52 = arith.constant 0 : i32
    %dma_wait3A_53 = arith.constant 0 : i32
    %dma_wait3A_54 = tpu.memref_slice %arg4[%dma_wait3A_52, %dma_wait3A_53] : memref<100000x128xf32, #tpu.memory_space<hbm>> -> memref<100000x128xf32, #tpu.memory_space<hbm>>
    tpu.wait_indirect_dma semaphore(%arg14 : memref<!tpu.dma_semaphore, #tpu.memory_space<semaphore_mem>>) src(%dma_wait3A_54 : memref<100000x128xf32, #tpu.memory_space<hbm>>) dst(%arg11 : memref<128x128xf32, #tpu.memory_space<vmem>>)
    %mul3A_55 = arith.constant 2 : i32
    %mul3A_56 = arith.muli %add3A, %mul3A_55 : i32
    %add3A_57 = arith.constant 1 : i32
    %add3A_58 = arith.addi %mul3A_56, %add3A_57 : i32
    %mul3A_59 = arith.constant 128 : i32
    %mul3A_60 = arith.muli %add3A_58, %mul3A_59 : i32
    %dma_start3A_61 = arith.constant 0 : i32
    %dma_start3A_62 = tpu.memref_slice %arg6[%mul3A_60, %dma_start3A_61] : memref<8192x128xf32, #tpu.memory_space<hbm>> -> memref<128x128xf32, #tpu.memory_space<hbm>>
    %dma_start3A_63 = arith.constant 0 : i32
    %dma_start3A_64 = tpu.memref_slice %arg6[%mul3A_60, %dma_start3A_63] : memref<8192x128xf32, #tpu.memory_space<hbm>> -> memref<128x128xf32, #tpu.memory_space<hbm>>
    tpu.enqueue_dma source(%arg11 : memref<128x128xf32, #tpu.memory_space<vmem>>) target(%dma_start3A_64 : memref<128x128xf32, #tpu.memory_space<hbm>>) target_semaphore(%arg15 : memref<!tpu.dma_semaphore, #tpu.memory_space<semaphore_mem>>)
    %dma_wait3A_65 = arith.constant 0 : i32
    %dma_wait3A_66 = arith.constant 0 : i32
    %dma_wait3A_67 = tpu.memref_slice %arg9[%dma_wait3A_65, %dma_wait3A_66] : memref<2x128xi32, #tpu.memory_space<vmem>> -> memref<1x128xi32, #tpu.memory_space<vmem>>
    %dma_wait3A_68 = tpu.memref_squeeze %dma_wait3A_67 : memref<1x128xi32, #tpu.memory_space<vmem>> -> memref<128xi32, #tpu.memory_space<vmem>>
    %dma_wait3A_69 = arith.constant 0 : i32
    %dma_wait3A_70 = arith.constant 0 : i32
    %dma_wait3A_71 = tpu.memref_slice %arg5[%dma_wait3A_69, %dma_wait3A_70] : memref<100001x128xf32, #tpu.memory_space<hbm>> -> memref<100001x128xf32, #tpu.memory_space<hbm>>
    tpu.wait_indirect_dma semaphore(%arg14 : memref<!tpu.dma_semaphore, #tpu.memory_space<semaphore_mem>>) src(%dma_wait3A_71 : memref<100001x128xf32, #tpu.memory_space<hbm>>) dst(%arg12 : memref<128x128xf32, #tpu.memory_space<vmem>>)
    %mul3A_72 = arith.constant 2 : i32
    %mul3A_73 = arith.muli %add3A, %mul3A_72 : i32
    %add3A_74 = arith.constant 0 : i32
    %add3A_75 = arith.addi %mul3A_73, %add3A_74 : i32
    %mul3A_76 = arith.constant 128 : i32
    %mul3A_77 = arith.muli %add3A_75, %mul3A_76 : i32
    %dma_start3A_78 = arith.constant 0 : i32
    %dma_start3A_79 = tpu.memref_slice %arg7[%mul3A_77, %dma_start3A_78] : memref<8192x128xf32, #tpu.memory_space<hbm>> -> memref<128x128xf32, #tpu.memory_space<hbm>>
    %dma_start3A_80 = arith.constant 0 : i32
    %dma_start3A_81 = tpu.memref_slice %arg7[%mul3A_77, %dma_start3A_80] : memref<8192x128xf32, #tpu.memory_space<hbm>> -> memref<128x128xf32, #tpu.memory_space<hbm>>
    tpu.enqueue_dma source(%arg12 : memref<128x128xf32, #tpu.memory_space<vmem>>) target(%dma_start3A_81 : memref<128x128xf32, #tpu.memory_space<hbm>>) target_semaphore(%arg15 : memref<!tpu.dma_semaphore, #tpu.memory_space<semaphore_mem>>)
    %dma_wait3A_82 = arith.constant 1 : i32
    %dma_wait3A_83 = arith.constant 0 : i32
    %dma_wait3A_84 = tpu.memref_slice %arg9[%dma_wait3A_82, %dma_wait3A_83] : memref<2x128xi32, #tpu.memory_space<vmem>> -> memref<1x128xi32, #tpu.memory_space<vmem>>
    %dma_wait3A_85 = tpu.memref_squeeze %dma_wait3A_84 : memref<1x128xi32, #tpu.memory_space<vmem>> -> memref<128xi32, #tpu.memory_space<vmem>>
    %dma_wait3A_86 = arith.constant 0 : i32
    %dma_wait3A_87 = arith.constant 0 : i32
    %dma_wait3A_88 = tpu.memref_slice %arg5[%dma_wait3A_86, %dma_wait3A_87] : memref<100001x128xf32, #tpu.memory_space<hbm>> -> memref<100001x128xf32, #tpu.memory_space<hbm>>
    tpu.wait_indirect_dma semaphore(%arg14 : memref<!tpu.dma_semaphore, #tpu.memory_space<semaphore_mem>>) src(%dma_wait3A_88 : memref<100001x128xf32, #tpu.memory_space<hbm>>) dst(%arg13 : memref<128x128xf32, #tpu.memory_space<vmem>>)
    %mul3A_89 = arith.constant 2 : i32
    %mul3A_90 = arith.muli %add3A, %mul3A_89 : i32
    %add3A_91 = arith.constant 1 : i32
    %add3A_92 = arith.addi %mul3A_90, %add3A_91 : i32
    %mul3A_93 = arith.constant 128 : i32
    %mul3A_94 = arith.muli %add3A_92, %mul3A_93 : i32
    %dma_start3A_95 = arith.constant 0 : i32
    %dma_start3A_96 = tpu.memref_slice %arg7[%mul3A_94, %dma_start3A_95] : memref<8192x128xf32, #tpu.memory_space<hbm>> -> memref<128x128xf32, #tpu.memory_space<hbm>>
    %dma_start3A_97 = arith.constant 0 : i32
    %dma_start3A_98 = tpu.memref_slice %arg7[%mul3A_94, %dma_start3A_97] : memref<8192x128xf32, #tpu.memory_space<hbm>> -> memref<128x128xf32, #tpu.memory_space<hbm>>
    tpu.enqueue_dma source(%arg13 : memref<128x128xf32, #tpu.memory_space<vmem>>) target(%dma_start3A_98 : memref<128x128xf32, #tpu.memory_space<hbm>>) target_semaphore(%arg15 : memref<!tpu.dma_semaphore, #tpu.memory_space<semaphore_mem>>)
    %dma_wait3A_99 = arith.constant 0 : i32
    %dma_wait3A_100 = tpu.memref_slice %arg6[%mul3A_43, %dma_wait3A_99] : memref<8192x128xf32, #tpu.memory_space<hbm>> -> memref<128x128xf32, #tpu.memory_space<hbm>>
    %dma_wait3A_101 = arith.constant 0 : i32
    %dma_wait3A_102 = tpu.memref_slice %arg6[%mul3A_43, %dma_wait3A_101] : memref<8192x128xf32, #tpu.memory_space<hbm>> -> memref<128x128xf32, #tpu.memory_space<hbm>>
    tpu.wait_dma2 semaphore(%arg15 : memref<!tpu.dma_semaphore, #tpu.memory_space<semaphore_mem>>) src(%arg10 : memref<128x128xf32, #tpu.memory_space<vmem>>) dst(%dma_wait3A_102 : memref<128x128xf32, #tpu.memory_space<hbm>>)
    %dma_wait3A_103 = arith.constant 0 : i32
    %dma_wait3A_104 = tpu.memref_slice %arg6[%mul3A_60, %dma_wait3A_103] : memref<8192x128xf32, #tpu.memory_space<hbm>> -> memref<128x128xf32, #tpu.memory_space<hbm>>
    %dma_wait3A_105 = arith.constant 0 : i32
    %dma_wait3A_106 = tpu.memref_slice %arg6[%mul3A_60, %dma_wait3A_105] : memref<8192x128xf32, #tpu.memory_space<hbm>> -> memref<128x128xf32, #tpu.memory_space<hbm>>
    tpu.wait_dma2 semaphore(%arg15 : memref<!tpu.dma_semaphore, #tpu.memory_space<semaphore_mem>>) src(%arg11 : memref<128x128xf32, #tpu.memory_space<vmem>>) dst(%dma_wait3A_106 : memref<128x128xf32, #tpu.memory_space<hbm>>)
    %dma_wait3A_107 = arith.constant 0 : i32
    %dma_wait3A_108 = tpu.memref_slice %arg7[%mul3A_77, %dma_wait3A_107] : memref<8192x128xf32, #tpu.memory_space<hbm>> -> memref<128x128xf32, #tpu.memory_space<hbm>>
    %dma_wait3A_109 = arith.constant 0 : i32
    %dma_wait3A_110 = tpu.memref_slice %arg7[%mul3A_77, %dma_wait3A_109] : memref<8192x128xf32, #tpu.memory_space<hbm>> -> memref<128x128xf32, #tpu.memory_space<hbm>>
    tpu.wait_dma2 semaphore(%arg15 : memref<!tpu.dma_semaphore, #tpu.memory_space<semaphore_mem>>) src(%arg12 : memref<128x128xf32, #tpu.memory_space<vmem>>) dst(%dma_wait3A_110 : memref<128x128xf32, #tpu.memory_space<hbm>>)
    %dma_wait3A_111 = arith.constant 0 : i32
    %dma_wait3A_112 = tpu.memref_slice %arg7[%mul3A_94, %dma_wait3A_111] : memref<8192x128xf32, #tpu.memory_space<hbm>> -> memref<128x128xf32, #tpu.memory_space<hbm>>
    %dma_wait3A_113 = arith.constant 0 : i32
    %dma_wait3A_114 = tpu.memref_slice %arg7[%mul3A_94, %dma_wait3A_113] : memref<8192x128xf32, #tpu.memory_space<hbm>> -> memref<128x128xf32, #tpu.memory_space<hbm>>
    tpu.wait_dma2 semaphore(%arg15 : memref<!tpu.dma_semaphore, #tpu.memory_space<semaphore_mem>>) src(%arg13 : memref<128x128xf32, #tpu.memory_space<vmem>>) dst(%dma_wait3A_114 : memref<128x128xf32, #tpu.memory_space<hbm>>)
    return
  }
}

#map = affine_map<(d0, d1) -> (0, 0)>
module attributes {stable_mosaic.version = 14 : i64} {
  func.func @_sc_gather_body(%arg0: i32, %arg1: i32, %arg2: memref<128x128xi32, #tpu.memory_space<hbm>>, %arg3: memref<128x128xi32, #tpu.memory_space<hbm>>, %arg4: memref<100000x128xf32, #tpu.memory_space<hbm>>, %arg5: memref<100001x128xf32, #tpu.memory_space<hbm>>, %arg6: memref<8192x128xf32, #tpu.memory_space<hbm>>, %arg7: memref<8192x128xf32, #tpu.memory_space<hbm>>, %arg8: memref<2x128xi32, #tpu.memory_space<vmem>>, %arg9: memref<2x128xi32, #tpu.memory_space<vmem>>, %arg10: memref<128x128xf32, #tpu.memory_space<vmem>>, %arg11: memref<128x128xf32, #tpu.memory_space<vmem>>, %arg12: memref<128x128xf32, #tpu.memory_space<vmem>>, %arg13: memref<128x128xf32, #tpu.memory_space<vmem>>, %arg14: memref<!tpu.dma_semaphore, #tpu.memory_space<semaphore_mem>>, %arg15: memref<!tpu.dma_semaphore, #tpu.memory_space<semaphore_mem>>) attributes {dimension_semantics = [#tpu.dimension_semantics<core_parallel>, #tpu.dimension_semantics<subcore_parallel>], iteration_bounds = array<i64: 2, 16>, scalar_prefetch = 0 : i64, scratch_operands = 8 : i64, tpu.core_type = #tpu.core_type<sc_vector_subcore>, window_params = [{transform_indices = #map}, {transform_indices = #map}, {transform_indices = #map}, {transform_indices = #map}, {transform_indices = #map}, {transform_indices = #map}]} {
    %mul3A = arith.constant 2 : i32
    %mul3A_0 = arith.muli %arg1, %mul3A : i32
    %add3A = arith.addi %mul3A_0, %arg0 : i32
    %mul3A_1 = arith.constant 2 : i32
    %mul3A_2 = arith.muli %add3A, %mul3A_1 : i32
    %add3A_3 = arith.constant 64 : i32
    %add3A_4 = arith.addi %add3A_3, %mul3A_2 : i32
    "tpu.region"() ({
      %run_scoped3A = tpu.sem_alloc : memref<!tpu.dma_semaphore, #tpu.memory_space<semaphore_mem>>
      %dma_start3A_115 = arith.constant 0 : i32
      %dma_start3A_116 = tpu.memref_slice %arg2[%add3A_4, %dma_start3A_115] : memref<128x128xi32, #tpu.memory_space<hbm>> -> memref<2x128xi32, #tpu.memory_space<hbm>>
      %dma_start3A_117 = arith.constant 0 : i32
      %dma_start3A_118 = tpu.memref_slice %arg2[%add3A_4, %dma_start3A_117] : memref<128x128xi32, #tpu.memory_space<hbm>> -> memref<2x128xi32, #tpu.memory_space<hbm>>
      tpu.enqueue_dma source(%dma_start3A_118 : memref<2x128xi32, #tpu.memory_space<hbm>>) target(%arg8 : memref<2x128xi32, #tpu.memory_space<vmem>>) target_semaphore(%run_scoped3A : memref<!tpu.dma_semaphore, #tpu.memory_space<semaphore_mem>>)
      %dma_wait3A_119 = arith.constant 0 : i32
      %dma_wait3A_120 = tpu.memref_slice %arg2[%add3A_4, %dma_wait3A_119] : memref<128x128xi32, #tpu.memory_space<hbm>> -> memref<2x128xi32, #tpu.memory_space<hbm>>
      %dma_wait3A_121 = arith.constant 0 : i32
      %dma_wait3A_122 = tpu.memref_slice %arg2[%add3A_4, %dma_wait3A_121] : memref<128x128xi32, #tpu.memory_space<hbm>> -> memref<2x128xi32, #tpu.memory_space<hbm>>
      tpu.wait_dma2 semaphore(%run_scoped3A : memref<!tpu.dma_semaphore, #tpu.memory_space<semaphore_mem>>) src(%dma_wait3A_122 : memref<2x128xi32, #tpu.memory_space<hbm>>) dst(%arg8 : memref<2x128xi32, #tpu.memory_space<vmem>>)
      tpu.yield
    }) : () -> ()
    "tpu.region"() ({
      %run_scoped3A = tpu.sem_alloc : memref<!tpu.dma_semaphore, #tpu.memory_space<semaphore_mem>>
      %dma_start3A_115 = arith.constant 0 : i32
      %dma_start3A_116 = tpu.memref_slice %arg3[%add3A_4, %dma_start3A_115] : memref<128x128xi32, #tpu.memory_space<hbm>> -> memref<2x128xi32, #tpu.memory_space<hbm>>
      %dma_start3A_117 = arith.constant 0 : i32
      %dma_start3A_118 = tpu.memref_slice %arg3[%add3A_4, %dma_start3A_117] : memref<128x128xi32, #tpu.memory_space<hbm>> -> memref<2x128xi32, #tpu.memory_space<hbm>>
      tpu.enqueue_dma source(%dma_start3A_118 : memref<2x128xi32, #tpu.memory_space<hbm>>) target(%arg9 : memref<2x128xi32, #tpu.memory_space<vmem>>) target_semaphore(%run_scoped3A : memref<!tpu.dma_semaphore, #tpu.memory_space<semaphore_mem>>)
      %dma_wait3A_119 = arith.constant 0 : i32
      %dma_wait3A_120 = tpu.memref_slice %arg3[%add3A_4, %dma_wait3A_119] : memref<128x128xi32, #tpu.memory_space<hbm>> -> memref<2x128xi32, #tpu.memory_space<hbm>>
      %dma_wait3A_121 = arith.constant 0 : i32
      %dma_wait3A_122 = tpu.memref_slice %arg3[%add3A_4, %dma_wait3A_121] : memref<128x128xi32, #tpu.memory_space<hbm>> -> memref<2x128xi32, #tpu.memory_space<hbm>>
      tpu.wait_dma2 semaphore(%run_scoped3A : memref<!tpu.dma_semaphore, #tpu.memory_space<semaphore_mem>>) src(%dma_wait3A_122 : memref<2x128xi32, #tpu.memory_space<hbm>>) dst(%arg9 : memref<2x128xi32, #tpu.memory_space<vmem>>)
      tpu.yield
    }) : () -> ()
    %dma_start3A = arith.constant 0 : i32
    %dma_start3A_5 = arith.constant 0 : i32
    %dma_start3A_6 = tpu.memref_slice %arg8[%dma_start3A, %dma_start3A_5] : memref<2x128xi32, #tpu.memory_space<vmem>> -> memref<1x128xi32, #tpu.memory_space<vmem>>
    %dma_start3A_7 = tpu.memref_squeeze %dma_start3A_6 : memref<1x128xi32, #tpu.memory_space<vmem>> -> memref<128xi32, #tpu.memory_space<vmem>>
    %dma_start3A_8 = arith.constant 0 : i32
    %dma_start3A_9 = arith.constant 0 : i32
    %dma_start3A_10 = tpu.memref_slice %arg4[%dma_start3A_8, %dma_start3A_9] : memref<100000x128xf32, #tpu.memory_space<hbm>> -> memref<100000x128xf32, #tpu.memory_space<hbm>>
    tpu.enqueue_indirect_dma source(%dma_start3A_10 : memref<100000x128xf32, #tpu.memory_space<hbm>>) target(%arg10 : memref<128x128xf32, #tpu.memory_space<vmem>>) offsets(%dma_start3A_7 : memref<128xi32, #tpu.memory_space<vmem>>) semaphore(%arg14 : memref<!tpu.dma_semaphore, #tpu.memory_space<semaphore_mem>>)
    %dma_start3A_11 = arith.constant 1 : i32
    %dma_start3A_12 = arith.constant 0 : i32
    %dma_start3A_13 = tpu.memref_slice %arg8[%dma_start3A_11, %dma_start3A_12] : memref<2x128xi32, #tpu.memory_space<vmem>> -> memref<1x128xi32, #tpu.memory_space<vmem>>
    %dma_start3A_14 = tpu.memref_squeeze %dma_start3A_13 : memref<1x128xi32, #tpu.memory_space<vmem>> -> memref<128xi32, #tpu.memory_space<vmem>>
    %dma_start3A_15 = arith.constant 0 : i32
    %dma_start3A_16 = arith.constant 0 : i32
    %dma_start3A_17 = tpu.memref_slice %arg4[%dma_start3A_15, %dma_start3A_16] : memref<100000x128xf32, #tpu.memory_space<hbm>> -> memref<100000x128xf32, #tpu.memory_space<hbm>>
    tpu.enqueue_indirect_dma source(%dma_start3A_17 : memref<100000x128xf32, #tpu.memory_space<hbm>>) target(%arg11 : memref<128x128xf32, #tpu.memory_space<vmem>>) offsets(%dma_start3A_14 : memref<128xi32, #tpu.memory_space<vmem>>) semaphore(%arg14 : memref<!tpu.dma_semaphore, #tpu.memory_space<semaphore_mem>>)
    %dma_start3A_18 = arith.constant 0 : i32
    %dma_start3A_19 = arith.constant 0 : i32
    %dma_start3A_20 = tpu.memref_slice %arg9[%dma_start3A_18, %dma_start3A_19] : memref<2x128xi32, #tpu.memory_space<vmem>> -> memref<1x128xi32, #tpu.memory_space<vmem>>
    %dma_start3A_21 = tpu.memref_squeeze %dma_start3A_20 : memref<1x128xi32, #tpu.memory_space<vmem>> -> memref<128xi32, #tpu.memory_space<vmem>>
    %dma_start3A_22 = arith.constant 0 : i32
    %dma_start3A_23 = arith.constant 0 : i32
    %dma_start3A_24 = tpu.memref_slice %arg5[%dma_start3A_22, %dma_start3A_23] : memref<100001x128xf32, #tpu.memory_space<hbm>> -> memref<100001x128xf32, #tpu.memory_space<hbm>>
    tpu.enqueue_indirect_dma source(%dma_start3A_24 : memref<100001x128xf32, #tpu.memory_space<hbm>>) target(%arg12 : memref<128x128xf32, #tpu.memory_space<vmem>>) offsets(%dma_start3A_21 : memref<128xi32, #tpu.memory_space<vmem>>) semaphore(%arg14 : memref<!tpu.dma_semaphore, #tpu.memory_space<semaphore_mem>>)
    %dma_start3A_25 = arith.constant 1 : i32
    %dma_start3A_26 = arith.constant 0 : i32
    %dma_start3A_27 = tpu.memref_slice %arg9[%dma_start3A_25, %dma_start3A_26] : memref<2x128xi32, #tpu.memory_space<vmem>> -> memref<1x128xi32, #tpu.memory_space<vmem>>
    %dma_start3A_28 = tpu.memref_squeeze %dma_start3A_27 : memref<1x128xi32, #tpu.memory_space<vmem>> -> memref<128xi32, #tpu.memory_space<vmem>>
    %dma_start3A_29 = arith.constant 0 : i32
    %dma_start3A_30 = arith.constant 0 : i32
    %dma_start3A_31 = tpu.memref_slice %arg5[%dma_start3A_29, %dma_start3A_30] : memref<100001x128xf32, #tpu.memory_space<hbm>> -> memref<100001x128xf32, #tpu.memory_space<hbm>>
    tpu.enqueue_indirect_dma source(%dma_start3A_31 : memref<100001x128xf32, #tpu.memory_space<hbm>>) target(%arg13 : memref<128x128xf32, #tpu.memory_space<vmem>>) offsets(%dma_start3A_28 : memref<128xi32, #tpu.memory_space<vmem>>) semaphore(%arg14 : memref<!tpu.dma_semaphore, #tpu.memory_space<semaphore_mem>>)
    %dma_wait3A = arith.constant 0 : i32
    %dma_wait3A_32 = arith.constant 0 : i32
    %dma_wait3A_33 = tpu.memref_slice %arg8[%dma_wait3A, %dma_wait3A_32] : memref<2x128xi32, #tpu.memory_space<vmem>> -> memref<1x128xi32, #tpu.memory_space<vmem>>
    %dma_wait3A_34 = tpu.memref_squeeze %dma_wait3A_33 : memref<1x128xi32, #tpu.memory_space<vmem>> -> memref<128xi32, #tpu.memory_space<vmem>>
    %dma_wait3A_35 = arith.constant 0 : i32
    %dma_wait3A_36 = arith.constant 0 : i32
    %dma_wait3A_37 = tpu.memref_slice %arg4[%dma_wait3A_35, %dma_wait3A_36] : memref<100000x128xf32, #tpu.memory_space<hbm>> -> memref<100000x128xf32, #tpu.memory_space<hbm>>
    tpu.wait_indirect_dma semaphore(%arg14 : memref<!tpu.dma_semaphore, #tpu.memory_space<semaphore_mem>>) src(%dma_wait3A_37 : memref<100000x128xf32, #tpu.memory_space<hbm>>) dst(%arg10 : memref<128x128xf32, #tpu.memory_space<vmem>>)
    %mul3A_38 = arith.constant 2 : i32
    %mul3A_39 = arith.muli %add3A, %mul3A_38 : i32
    %add3A_40 = arith.constant 0 : i32
    %add3A_41 = arith.addi %mul3A_39, %add3A_40 : i32
    %mul3A_42 = arith.constant 128 : i32
    %mul3A_43 = arith.muli %add3A_41, %mul3A_42 : i32
    %dma_start3A_44 = arith.constant 0 : i32
    %dma_start3A_45 = tpu.memref_slice %arg6[%mul3A_43, %dma_start3A_44] : memref<8192x128xf32, #tpu.memory_space<hbm>> -> memref<128x128xf32, #tpu.memory_space<hbm>>
    %dma_start3A_46 = arith.constant 0 : i32
    %dma_start3A_47 = tpu.memref_slice %arg6[%mul3A_43, %dma_start3A_46] : memref<8192x128xf32, #tpu.memory_space<hbm>> -> memref<128x128xf32, #tpu.memory_space<hbm>>
    tpu.enqueue_dma source(%arg10 : memref<128x128xf32, #tpu.memory_space<vmem>>) target(%dma_start3A_47 : memref<128x128xf32, #tpu.memory_space<hbm>>) target_semaphore(%arg15 : memref<!tpu.dma_semaphore, #tpu.memory_space<semaphore_mem>>)
    %dma_wait3A_48 = arith.constant 1 : i32
    %dma_wait3A_49 = arith.constant 0 : i32
    %dma_wait3A_50 = tpu.memref_slice %arg8[%dma_wait3A_48, %dma_wait3A_49] : memref<2x128xi32, #tpu.memory_space<vmem>> -> memref<1x128xi32, #tpu.memory_space<vmem>>
    %dma_wait3A_51 = tpu.memref_squeeze %dma_wait3A_50 : memref<1x128xi32, #tpu.memory_space<vmem>> -> memref<128xi32, #tpu.memory_space<vmem>>
    %dma_wait3A_52 = arith.constant 0 : i32
    %dma_wait3A_53 = arith.constant 0 : i32
    %dma_wait3A_54 = tpu.memref_slice %arg4[%dma_wait3A_52, %dma_wait3A_53] : memref<100000x128xf32, #tpu.memory_space<hbm>> -> memref<100000x128xf32, #tpu.memory_space<hbm>>
    tpu.wait_indirect_dma semaphore(%arg14 : memref<!tpu.dma_semaphore, #tpu.memory_space<semaphore_mem>>) src(%dma_wait3A_54 : memref<100000x128xf32, #tpu.memory_space<hbm>>) dst(%arg11 : memref<128x128xf32, #tpu.memory_space<vmem>>)
    %mul3A_55 = arith.constant 2 : i32
    %mul3A_56 = arith.muli %add3A, %mul3A_55 : i32
    %add3A_57 = arith.constant 1 : i32
    %add3A_58 = arith.addi %mul3A_56, %add3A_57 : i32
    %mul3A_59 = arith.constant 128 : i32
    %mul3A_60 = arith.muli %add3A_58, %mul3A_59 : i32
    %dma_start3A_61 = arith.constant 0 : i32
    %dma_start3A_62 = tpu.memref_slice %arg6[%mul3A_60, %dma_start3A_61] : memref<8192x128xf32, #tpu.memory_space<hbm>> -> memref<128x128xf32, #tpu.memory_space<hbm>>
    %dma_start3A_63 = arith.constant 0 : i32
    %dma_start3A_64 = tpu.memref_slice %arg6[%mul3A_60, %dma_start3A_63] : memref<8192x128xf32, #tpu.memory_space<hbm>> -> memref<128x128xf32, #tpu.memory_space<hbm>>
    tpu.enqueue_dma source(%arg11 : memref<128x128xf32, #tpu.memory_space<vmem>>) target(%dma_start3A_64 : memref<128x128xf32, #tpu.memory_space<hbm>>) target_semaphore(%arg15 : memref<!tpu.dma_semaphore, #tpu.memory_space<semaphore_mem>>)
    %dma_wait3A_65 = arith.constant 0 : i32
    %dma_wait3A_66 = arith.constant 0 : i32
    %dma_wait3A_67 = tpu.memref_slice %arg9[%dma_wait3A_65, %dma_wait3A_66] : memref<2x128xi32, #tpu.memory_space<vmem>> -> memref<1x128xi32, #tpu.memory_space<vmem>>
    %dma_wait3A_68 = tpu.memref_squeeze %dma_wait3A_67 : memref<1x128xi32, #tpu.memory_space<vmem>> -> memref<128xi32, #tpu.memory_space<vmem>>
    %dma_wait3A_69 = arith.constant 0 : i32
    %dma_wait3A_70 = arith.constant 0 : i32
    %dma_wait3A_71 = tpu.memref_slice %arg5[%dma_wait3A_69, %dma_wait3A_70] : memref<100001x128xf32, #tpu.memory_space<hbm>> -> memref<100001x128xf32, #tpu.memory_space<hbm>>
    tpu.wait_indirect_dma semaphore(%arg14 : memref<!tpu.dma_semaphore, #tpu.memory_space<semaphore_mem>>) src(%dma_wait3A_71 : memref<100001x128xf32, #tpu.memory_space<hbm>>) dst(%arg12 : memref<128x128xf32, #tpu.memory_space<vmem>>)
    %mul3A_72 = arith.constant 2 : i32
    %mul3A_73 = arith.muli %add3A, %mul3A_72 : i32
    %add3A_74 = arith.constant 0 : i32
    %add3A_75 = arith.addi %mul3A_73, %add3A_74 : i32
    %mul3A_76 = arith.constant 128 : i32
    %mul3A_77 = arith.muli %add3A_75, %mul3A_76 : i32
    %dma_start3A_78 = arith.constant 0 : i32
    %dma_start3A_79 = tpu.memref_slice %arg7[%mul3A_77, %dma_start3A_78] : memref<8192x128xf32, #tpu.memory_space<hbm>> -> memref<128x128xf32, #tpu.memory_space<hbm>>
    %dma_start3A_80 = arith.constant 0 : i32
    %dma_start3A_81 = tpu.memref_slice %arg7[%mul3A_77, %dma_start3A_80] : memref<8192x128xf32, #tpu.memory_space<hbm>> -> memref<128x128xf32, #tpu.memory_space<hbm>>
    tpu.enqueue_dma source(%arg12 : memref<128x128xf32, #tpu.memory_space<vmem>>) target(%dma_start3A_81 : memref<128x128xf32, #tpu.memory_space<hbm>>) target_semaphore(%arg15 : memref<!tpu.dma_semaphore, #tpu.memory_space<semaphore_mem>>)
    %dma_wait3A_82 = arith.constant 1 : i32
    %dma_wait3A_83 = arith.constant 0 : i32
    %dma_wait3A_84 = tpu.memref_slice %arg9[%dma_wait3A_82, %dma_wait3A_83] : memref<2x128xi32, #tpu.memory_space<vmem>> -> memref<1x128xi32, #tpu.memory_space<vmem>>
    %dma_wait3A_85 = tpu.memref_squeeze %dma_wait3A_84 : memref<1x128xi32, #tpu.memory_space<vmem>> -> memref<128xi32, #tpu.memory_space<vmem>>
    %dma_wait3A_86 = arith.constant 0 : i32
    %dma_wait3A_87 = arith.constant 0 : i32
    %dma_wait3A_88 = tpu.memref_slice %arg5[%dma_wait3A_86, %dma_wait3A_87] : memref<100001x128xf32, #tpu.memory_space<hbm>> -> memref<100001x128xf32, #tpu.memory_space<hbm>>
    tpu.wait_indirect_dma semaphore(%arg14 : memref<!tpu.dma_semaphore, #tpu.memory_space<semaphore_mem>>) src(%dma_wait3A_88 : memref<100001x128xf32, #tpu.memory_space<hbm>>) dst(%arg13 : memref<128x128xf32, #tpu.memory_space<vmem>>)
    %mul3A_89 = arith.constant 2 : i32
    %mul3A_90 = arith.muli %add3A, %mul3A_89 : i32
    %add3A_91 = arith.constant 1 : i32
    %add3A_92 = arith.addi %mul3A_90, %add3A_91 : i32
    %mul3A_93 = arith.constant 128 : i32
    %mul3A_94 = arith.muli %add3A_92, %mul3A_93 : i32
    %dma_start3A_95 = arith.constant 0 : i32
    %dma_start3A_96 = tpu.memref_slice %arg7[%mul3A_94, %dma_start3A_95] : memref<8192x128xf32, #tpu.memory_space<hbm>> -> memref<128x128xf32, #tpu.memory_space<hbm>>
    %dma_start3A_97 = arith.constant 0 : i32
    %dma_start3A_98 = tpu.memref_slice %arg7[%mul3A_94, %dma_start3A_97] : memref<8192x128xf32, #tpu.memory_space<hbm>> -> memref<128x128xf32, #tpu.memory_space<hbm>>
    tpu.enqueue_dma source(%arg13 : memref<128x128xf32, #tpu.memory_space<vmem>>) target(%dma_start3A_98 : memref<128x128xf32, #tpu.memory_space<hbm>>) target_semaphore(%arg15 : memref<!tpu.dma_semaphore, #tpu.memory_space<semaphore_mem>>)
    %dma_wait3A_99 = arith.constant 0 : i32
    %dma_wait3A_100 = tpu.memref_slice %arg6[%mul3A_43, %dma_wait3A_99] : memref<8192x128xf32, #tpu.memory_space<hbm>> -> memref<128x128xf32, #tpu.memory_space<hbm>>
    %dma_wait3A_101 = arith.constant 0 : i32
    %dma_wait3A_102 = tpu.memref_slice %arg6[%mul3A_43, %dma_wait3A_101] : memref<8192x128xf32, #tpu.memory_space<hbm>> -> memref<128x128xf32, #tpu.memory_space<hbm>>
    tpu.wait_dma2 semaphore(%arg15 : memref<!tpu.dma_semaphore, #tpu.memory_space<semaphore_mem>>) src(%arg10 : memref<128x128xf32, #tpu.memory_space<vmem>>) dst(%dma_wait3A_102 : memref<128x128xf32, #tpu.memory_space<hbm>>)
    %dma_wait3A_103 = arith.constant 0 : i32
    %dma_wait3A_104 = tpu.memref_slice %arg6[%mul3A_60, %dma_wait3A_103] : memref<8192x128xf32, #tpu.memory_space<hbm>> -> memref<128x128xf32, #tpu.memory_space<hbm>>
    %dma_wait3A_105 = arith.constant 0 : i32
    %dma_wait3A_106 = tpu.memref_slice %arg6[%mul3A_60, %dma_wait3A_105] : memref<8192x128xf32, #tpu.memory_space<hbm>> -> memref<128x128xf32, #tpu.memory_space<hbm>>
    tpu.wait_dma2 semaphore(%arg15 : memref<!tpu.dma_semaphore, #tpu.memory_space<semaphore_mem>>) src(%arg11 : memref<128x128xf32, #tpu.memory_space<vmem>>) dst(%dma_wait3A_106 : memref<128x128xf32, #tpu.memory_space<hbm>>)
    %dma_wait3A_107 = arith.constant 0 : i32
    %dma_wait3A_108 = tpu.memref_slice %arg7[%mul3A_77, %dma_wait3A_107] : memref<8192x128xf32, #tpu.memory_space<hbm>> -> memref<128x128xf32, #tpu.memory_space<hbm>>
    %dma_wait3A_109 = arith.constant 0 : i32
    %dma_wait3A_110 = tpu.memref_slice %arg7[%mul3A_77, %dma_wait3A_109] : memref<8192x128xf32, #tpu.memory_space<hbm>> -> memref<128x128xf32, #tpu.memory_space<hbm>>
    tpu.wait_dma2 semaphore(%arg15 : memref<!tpu.dma_semaphore, #tpu.memory_space<semaphore_mem>>) src(%arg12 : memref<128x128xf32, #tpu.memory_space<vmem>>) dst(%dma_wait3A_110 : memref<128x128xf32, #tpu.memory_space<hbm>>)
    %dma_wait3A_111 = arith.constant 0 : i32
    %dma_wait3A_112 = tpu.memref_slice %arg7[%mul3A_94, %dma_wait3A_111] : memref<8192x128xf32, #tpu.memory_space<hbm>> -> memref<128x128xf32, #tpu.memory_space<hbm>>
    %dma_wait3A_113 = arith.constant 0 : i32
    %dma_wait3A_114 = tpu.memref_slice %arg7[%mul3A_94, %dma_wait3A_113] : memref<8192x128xf32, #tpu.memory_space<hbm>> -> memref<128x128xf32, #tpu.memory_space<hbm>>
    tpu.wait_dma2 semaphore(%arg15 : memref<!tpu.dma_semaphore, #tpu.memory_space<semaphore_mem>>) src(%arg13 : memref<128x128xf32, #tpu.memory_space<vmem>>) dst(%dma_wait3A_114 : memref<128x128xf32, #tpu.memory_space<hbm>>)
    return
  }
}

module attributes {stable_mosaic.version = 14 : i64} {
  func.func @_dense_body(%arg0: i32, %arg1: memref<4096x55xbf16, #tpu.memory_space<vmem>>, %arg2: memref<4096x128xf32, #tpu.memory_space<vmem>>, %arg3: memref<4096x128xf32, #tpu.memory_space<vmem>>, %arg4: memref<128x18xf32, #tpu.memory_space<vmem>>, %arg5: memref<1x128xf32, #tpu.memory_space<vmem>>, %arg6: memref<128x21xf32, #tpu.memory_space<vmem>>, %arg7: memref<1x128xf32, #tpu.memory_space<vmem>>, %arg8: memref<8x128xf32, #tpu.memory_space<vmem>>, %arg9: memref<8x128xf32, #tpu.memory_space<vmem>>, %arg10: memref<256x768xf32, #tpu.memory_space<vmem>>, %arg11: memref<1x256xf32, #tpu.memory_space<vmem>>, %arg12: memref<128x256xf32, #tpu.memory_space<vmem>>, %arg13: memref<1x128xf32, #tpu.memory_space<vmem>>, %arg14: memref<1x128xf32, #tpu.memory_space<vmem>>, %arg15: memref<1x1xf32, #tpu.memory_space<smem>>, %arg16: memref<32x128xf32, #tpu.memory_space<vmem>>) attributes {dimension_semantics = [#tpu.dimension_semantics<arbitrary>], iteration_bounds = array<i64: 2>, scalar_prefetch = 0 : i64, scratch_operands = 0 : i64, tpu.core_type = #tpu.core_type<tc>, window_params = [{transform_indices = @transform_0, window_bounds = array<i64: 4096, 55>}, {transform_indices = @transform_1, window_bounds = array<i64: 4096, 128>}, {transform_indices = @transform_2, window_bounds = array<i64: 4096, 128>}, {pipeline_mode = #tpu.pipeline_mode<synchronous>, transform_indices = @transform_3, window_bounds = array<i64: 128, 18>}, {pipeline_mode = #tpu.pipeline_mode<synchronous>, transform_indices = @transform_4, window_bounds = array<i64: 1, 128>}, {pipeline_mode = #tpu.pipeline_mode<synchronous>, transform_indices = @transform_5, window_bounds = array<i64: 128, 21>}, {pipeline_mode = #tpu.pipeline_mode<synchronous>, transform_indices = @transform_6, window_bounds = array<i64: 1, 128>}, {pipeline_mode = #tpu.pipeline_mode<synchronous>, transform_indices = @transform_7, window_bounds = array<i64: 8, 128>}, {pipeline_mode = #tpu.pipeline_mode<synchronous>, transform_indices = @transform_8, window_bounds = array<i64: 8, 128>}, {pipeline_mode = #tpu.pipeline_mode<synchronous>, transform_indices = @transform_9, window_bounds = array<i64: 256, 768>}, {pipeline_mode = #tpu.pipeline_mode<synchronous>, transform_indices = @transform_10, window_bounds = array<i64: 1, 256>}, {pipeline_mode = #tpu.pipeline_mode<synchronous>, transform_indices = @transform_11, window_bounds = array<i64: 128, 256>}, {pipeline_mode = #tpu.pipeline_mode<synchronous>, transform_indices = @transform_12, window_bounds = array<i64: 1, 128>}, {pipeline_mode = #tpu.pipeline_mode<synchronous>, transform_indices = @transform_13, window_bounds = array<i64: 1, 128>}, {transform_indices = @transform_14, window_bounds = array<i64: 1, 1>}, {transform_indices = @transform_15, window_bounds = array<i64: 32, 128>}]} {
    %get3A = arith.constant 0 : index
    %get3A_0 = arith.constant 0 : index
    %get3A_1 = vector.load %arg1[%get3A, %get3A_0] : memref<4096x55xbf16, #tpu.memory_space<vmem>>, vector<4096x55xbf16>
    %convert_element_type3A = arith.extf %get3A_1 : vector<4096x55xbf16> to vector<4096x55xf32>
    %slice3A = vector.extract_strided_slice %convert_element_type3A {offsets = [0, 0], sizes = [4096, 18], strides = [1, 1]} : vector<4096x55xf32> to vector<4096x18xf32>
    %get3A_2 = arith.constant 0 : index
    %get3A_3 = arith.constant 0 : index
    %get3A_4 = vector.load %arg4[%get3A_2, %get3A_3] : memref<128x18xf32, #tpu.memory_space<vmem>>, vector<128x18xf32>
    %dot_general3A = arith.constant dense<0.000000e+00> : vector<4096x128xf32>
    %dot_general3A_5 = tpu.matmul %slice3A, %get3A_4, %dot_general3A {dimension_numbers = #tpu.dot_dimension_numbers<[1], [1], [0], [0], [0, 0, 1, 0], [], []>, transpose_lhs_hint = false} : vector<4096x18xf32>, vector<128x18xf32>, vector<4096x128xf32> -> vector<4096x128xf32>
    %get3A_6 = arith.constant 0 : index
    %get3A_7 = arith.constant 0 : index
    %get3A_8 = vector.load %arg5[%get3A_6, %get3A_7] : memref<1x128xf32, #tpu.memory_space<vmem>>, vector<1x128xf32>
    %add3A = vector.broadcast %get3A_8 : vector<1x128xf32> to vector<4096x128xf32>
    %add3A_9 = arith.addf %dot_general3A_5, %add3A : vector<4096x128xf32>
    %max3A = arith.constant 0.000000e+00 : f32
    %max3A_10 = vector.broadcast %max3A : f32 to vector<4096x128xf32>
    %max3A_11 = arith.maximumf %add3A_9, %max3A_10 : vector<4096x128xf32>
    %slice3A_12 = vector.extract_strided_slice %convert_element_type3A {offsets = [0, 18], sizes = [4096, 21], strides = [1, 1]} : vector<4096x55xf32> to vector<4096x21xf32>
    %get3A_13 = arith.constant 0 : index
    %get3A_14 = arith.constant 0 : index
    %get3A_15 = vector.load %arg6[%get3A_13, %get3A_14] : memref<128x21xf32, #tpu.memory_space<vmem>>, vector<128x21xf32>
    %dot_general3A_16 = arith.constant dense<0.000000e+00> : vector<4096x128xf32>
    %dot_general3A_17 = tpu.matmul %slice3A_12, %get3A_15, %dot_general3A_16 {dimension_numbers = #tpu.dot_dimension_numbers<[1], [1], [0], [0], [0, 0, 1, 0], [], []>, transpose_lhs_hint = false} : vector<4096x21xf32>, vector<128x21xf32>, vector<4096x128xf32> -> vector<4096x128xf32>
    %get3A_18 = arith.constant 0 : index
    %get3A_19 = arith.constant 0 : index
    %get3A_20 = vector.load %arg7[%get3A_18, %get3A_19] : memref<1x128xf32, #tpu.memory_space<vmem>>, vector<1x128xf32>
    %add3A_21 = vector.broadcast %get3A_20 : vector<1x128xf32> to vector<4096x128xf32>
    %add3A_22 = arith.addf %dot_general3A_17, %add3A_21 : vector<4096x128xf32>
    %max3A_23 = arith.constant 0.000000e+00 : f32
    %max3A_24 = vector.broadcast %max3A_23 : f32 to vector<4096x128xf32>
    %max3A_25 = arith.maximumf %add3A_22, %max3A_24 : vector<4096x128xf32>
    %slice3A_26 = vector.extract_strided_slice %convert_element_type3A {offsets = [0, 39], sizes = [4096, 16], strides = [1, 1]} : vector<4096x55xf32> to vector<4096x16xf32>
    %get3A_27 = arith.constant 0 : index
    %get3A_28 = arith.constant 0 : index
    %get3A_29 = vector.load %arg10[%get3A_27, %get3A_28] : memref<256x768xf32, #tpu.memory_space<vmem>>, vector<256x768xf32>
    %get3A_30 = arith.constant 0 : index
    %get3A_31 = arith.constant 0 : index
    %get3A_32 = vector.load %arg8[%get3A_30, %get3A_31] : memref<8x128xf32, #tpu.memory_space<vmem>>, vector<8x128xf32>
    %slice3A_33 = vector.extract_strided_slice %get3A_29 {offsets = [0, 512], sizes = [256, 128], strides = [1, 1]} : vector<256x768xf32> to vector<256x128xf32>
    %dot_general3A_34 = arith.constant dense<0.000000e+00> : vector<8x256xf32>
    %dot_general3A_35 = tpu.matmul %get3A_32, %slice3A_33, %dot_general3A_34 {dimension_numbers = #tpu.dot_dimension_numbers<[1], [1], [0], [0], [0, 0, 1, 0], [], []>, transpose_lhs_hint = false} : vector<8x128xf32>, vector<256x128xf32>, vector<8x256xf32> -> vector<8x256xf32>
    %get3A_36 = arith.constant 0 : index
    %get3A_37 = arith.constant 0 : index
    %get3A_38 = vector.load %arg9[%get3A_36, %get3A_37] : memref<8x128xf32, #tpu.memory_space<vmem>>, vector<8x128xf32>
    %slice3A_39 = vector.extract_strided_slice %get3A_29 {offsets = [0, 640], sizes = [256, 128], strides = [1, 1]} : vector<256x768xf32> to vector<256x128xf32>
    %dot_general3A_40 = arith.constant dense<0.000000e+00> : vector<8x256xf32>
    %dot_general3A_41 = tpu.matmul %get3A_38, %slice3A_39, %dot_general3A_40 {dimension_numbers = #tpu.dot_dimension_numbers<[1], [1], [0], [0], [0, 0, 1, 0], [], []>, transpose_lhs_hint = false} : vector<8x128xf32>, vector<256x128xf32>, vector<8x256xf32> -> vector<8x256xf32>
    %concatenate3A = tpu.concatenate %dot_general3A_35, %dot_general3A_41 in 0 : vector<8x256xf32>, vector<8x256xf32> -> vector<16x256xf32>
    %dot_general3A_42 = arith.constant dense<0.000000e+00> : vector<4096x256xf32>
    %dot_general3A_43 = tpu.matmul %slice3A_26, %concatenate3A, %dot_general3A_42 {dimension_numbers = #tpu.dot_dimension_numbers<[1], [0], [0], [1], [0, 0, 1, 1], [], []>, transpose_lhs_hint = false} : vector<4096x16xf32>, vector<16x256xf32>, vector<4096x256xf32> -> vector<4096x256xf32>
    %get3A_44 = arith.constant 0 : index
    %get3A_45 = arith.constant 0 : index
    %get3A_46 = vector.load %arg2[%get3A_44, %get3A_45] : memref<4096x128xf32, #tpu.memory_space<vmem>>, vector<4096x128xf32>
    %get3A_47 = arith.constant 0 : index
    %get3A_48 = arith.constant 0 : index
    %get3A_49 = vector.load %arg3[%get3A_47, %get3A_48] : memref<4096x128xf32, #tpu.memory_space<vmem>>, vector<4096x128xf32>
    %concatenate3A_50 = tpu.concatenate %get3A_46, %get3A_49, %max3A_11, %max3A_25 in 1 : vector<4096x128xf32>, vector<4096x128xf32>, vector<4096x128xf32>, vector<4096x128xf32> -> vector<4096x512xf32>
    %convert_element_type3A_51 = arith.truncf %concatenate3A_50 : vector<4096x512xf32> to vector<4096x512xbf16>
    %slice3A_52 = vector.extract_strided_slice %get3A_29 {offsets = [0, 0], sizes = [256, 512], strides = [1, 1]} : vector<256x768xf32> to vector<256x512xf32>
    %convert_element_type3A_53 = arith.truncf %slice3A_52 : vector<256x512xf32> to vector<256x512xbf16>
    %dot_general3A_54 = arith.constant dense<0.000000e+00> : vector<4096x256xf32>
    %dot_general3A_55 = tpu.matmul %convert_element_type3A_51, %convert_element_type3A_53, %dot_general3A_54 {dimension_numbers = #tpu.dot_dimension_numbers<[1], [1], [0], [0], [0, 0, 1, 0], [], []>, transpose_lhs_hint = false} : vector<4096x512xbf16>, vector<256x512xbf16>, vector<4096x256xf32> -> vector<4096x256xf32>
    %add3A_56 = arith.addf %dot_general3A_55, %dot_general3A_43 : vector<4096x256xf32>
    %get3A_57 = arith.constant 0 : index
    %get3A_58 = arith.constant 0 : index
    %get3A_59 = vector.load %arg11[%get3A_57, %get3A_58] : memref<1x256xf32, #tpu.memory_space<vmem>>, vector<1x256xf32>
    %add3A_60 = vector.broadcast %get3A_59 : vector<1x256xf32> to vector<4096x256xf32>
    %add3A_61 = arith.addf %add3A_56, %add3A_60 : vector<4096x256xf32>
    %max3A_62 = arith.constant 0.000000e+00 : f32
    %max3A_63 = vector.broadcast %max3A_62 : f32 to vector<4096x256xf32>
    %max3A_64 = arith.maximumf %add3A_61, %max3A_63 : vector<4096x256xf32>
    %convert_element_type3A_65 = arith.truncf %max3A_64 : vector<4096x256xf32> to vector<4096x256xbf16>
    %get3A_66 = arith.constant 0 : index
    %get3A_67 = arith.constant 0 : index
    %get3A_68 = vector.load %arg12[%get3A_66, %get3A_67] : memref<128x256xf32, #tpu.memory_space<vmem>>, vector<128x256xf32>
    %convert_element_type3A_69 = arith.truncf %get3A_68 : vector<128x256xf32> to vector<128x256xbf16>
    %dot_general3A_70 = arith.constant dense<0.000000e+00> : vector<4096x128xf32>
    %dot_general3A_71 = tpu.matmul %convert_element_type3A_65, %convert_element_type3A_69, %dot_general3A_70 {dimension_numbers = #tpu.dot_dimension_numbers<[1], [1], [0], [0], [0, 0, 1, 0], [], []>, transpose_lhs_hint = false} : vector<4096x256xbf16>, vector<128x256xbf16>, vector<4096x128xf32> -> vector<4096x128xf32>
    %get3A_72 = arith.constant 0 : index
    %get3A_73 = arith.constant 0 : index
    %get3A_74 = vector.load %arg13[%get3A_72, %get3A_73] : memref<1x128xf32, #tpu.memory_space<vmem>>, vector<1x128xf32>
    %add3A_75 = vector.broadcast %get3A_74 : vector<1x128xf32> to vector<4096x128xf32>
    %add3A_76 = arith.addf %dot_general3A_71, %add3A_75 : vector<4096x128xf32>
    %max3A_77 = arith.constant 0.000000e+00 : f32
    %max3A_78 = vector.broadcast %max3A_77 : f32 to vector<4096x128xf32>
    %max3A_79 = arith.maximumf %add3A_76, %max3A_78 : vector<4096x128xf32>
    %get3A_80 = arith.constant 0 : index
    %get3A_81 = arith.constant 0 : index
    %get3A_82 = vector.load %arg14[%get3A_80, %get3A_81] : memref<1x128xf32, #tpu.memory_space<vmem>>, vector<1x128xf32>
    %slice3A_83 = vector.extract_strided_slice %max3A_79 {offsets = [0, 0], sizes = [128, 128], strides = [1, 1]} : vector<4096x128xf32> to vector<128x128xf32>
    %dot_general3A_84 = arith.constant dense<0.000000e+00> : vector<1x128xf32>
    %dot_general3A_85 = tpu.matmul %get3A_82, %slice3A_83, %dot_general3A_84 {dimension_numbers = #tpu.dot_dimension_numbers<[1], [1], [0], [0], [0, 0, 1, 0], [], []>, transpose_lhs_hint = false} : vector<1x128xf32>, vector<128x128xf32>, vector<1x128xf32> -> vector<1x128xf32>
    %slice3A_86 = vector.extract_strided_slice %max3A_79 {offsets = [128, 0], sizes = [128, 128], strides = [1, 1]} : vector<4096x128xf32> to vector<128x128xf32>
    %dot_general3A_87 = arith.constant dense<0.000000e+00> : vector<1x128xf32>
    %dot_general3A_88 = tpu.matmul %get3A_82, %slice3A_86, %dot_general3A_87 {dimension_numbers = #tpu.dot_dimension_numbers<[1], [1], [0], [0], [0, 0, 1, 0], [], []>, transpose_lhs_hint = false} : vector<1x128xf32>, vector<128x128xf32>, vector<1x128xf32> -> vector<1x128xf32>
    %slice3A_89 = vector.extract_strided_slice %max3A_79 {offsets = [256, 0], sizes = [128, 128], strides = [1, 1]} : vector<4096x128xf32> to vector<128x128xf32>
    %dot_general3A_90 = arith.constant dense<0.000000e+00> : vector<1x128xf32>
    %dot_general3A_91 = tpu.matmul %get3A_82, %slice3A_89, %dot_general3A_90 {dimension_numbers = #tpu.dot_dimension_numbers<[1], [1], [0], [0], [0, 0, 1, 0], [], []>, transpose_lhs_hint = false} : vector<1x128xf32>, vector<128x128xf32>, vector<1x128xf32> -> vector<1x128xf32>
    %slice3A_92 = vector.extract_strided_slice %max3A_79 {offsets = [384, 0], sizes = [128, 128], strides = [1, 1]} : vector<4096x128xf32> to vector<128x128xf32>
    %dot_general3A_93 = arith.constant dense<0.000000e+00> : vector<1x128xf32>
    %dot_general3A_94 = tpu.matmul %get3A_82, %slice3A_92, %dot_general3A_93 {dimension_numbers = #tpu.dot_dimension_numbers<[1], [1], [0], [0], [0, 0, 1, 0], [], []>, transpose_lhs_hint = false} : vector<1x128xf32>, vector<128x128xf32>, vector<1x128xf32> -> vector<1x128xf32>
    %slice3A_95 = vector.extract_strided_slice %max3A_79 {offsets = [512, 0], sizes = [128, 128], strides = [1, 1]} : vector<4096x128xf32> to vector<128x128xf32>
    %dot_general3A_96 = arith.constant dense<0.000000e+00> : vector<1x128xf32>
    %dot_general3A_97 = tpu.matmul %get3A_82, %slice3A_95, %dot_general3A_96 {dimension_numbers = #tpu.dot_dimension_numbers<[1], [1], [0], [0], [0, 0, 1, 0], [], []>, transpose_lhs_hint = false} : vector<1x128xf32>, vector<128x128xf32>, vector<1x128xf32> -> vector<1x128xf32>
    %slice3A_98 = vector.extract_strided_slice %max3A_79 {offsets = [640, 0], sizes = [128, 128], strides = [1, 1]} : vector<4096x128xf32> to vector<128x128xf32>
    %dot_general3A_99 = arith.constant dense<0.000000e+00> : vector<1x128xf32>
    %dot_general3A_100 = tpu.matmul %get3A_82, %slice3A_98, %dot_general3A_99 {dimension_numbers = #tpu.dot_dimension_numbers<[1], [1], [0], [0], [0, 0, 1, 0], [], []>, transpose_lhs_hint = false} : vector<1x128xf32>, vector<128x128xf32>, vector<1x128xf32> -> vector<1x128xf32>
    %slice3A_101 = vector.extract_strided_slice %max3A_79 {offsets = [768, 0], sizes = [128, 128], strides = [1, 1]} : vector<4096x128xf32> to vector<128x128xf32>
    %dot_general3A_102 = arith.constant dense<0.000000e+00> : vector<1x128xf32>
    %dot_general3A_103 = tpu.matmul %get3A_82, %slice3A_101, %dot_general3A_102 {dimension_numbers = #tpu.dot_dimension_numbers<[1], [1], [0], [0], [0, 0, 1, 0], [], []>, transpose_lhs_hint = false} : vector<1x128xf32>, vector<128x128xf32>, vector<1x128xf32> -> vector<1x128xf32>
    %slice3A_104 = vector.extract_strided_slice %max3A_79 {offsets = [896, 0], sizes = [128, 128], strides = [1, 1]} : vector<4096x128xf32> to vector<128x128xf32>
    %dot_general3A_105 = arith.constant dense<0.000000e+00> : vector<1x128xf32>
    %dot_general3A_106 = tpu.matmul %get3A_82, %slice3A_104, %dot_general3A_105 {dimension_numbers = #tpu.dot_dimension_numbers<[1], [1], [0], [0], [0, 0, 1, 0], [], []>, transpose_lhs_hint = false} : vector<1x128xf32>, vector<128x128xf32>, vector<1x128xf32> -> vector<1x128xf32>
    %slice3A_107 = vector.extract_strided_slice %max3A_79 {offsets = [1024, 0], sizes = [128, 128], strides = [1, 1]} : vector<4096x128xf32> to vector<128x128xf32>
    %dot_general3A_108 = arith.constant dense<0.000000e+00> : vector<1x128xf32>
    %dot_general3A_109 = tpu.matmul %get3A_82, %slice3A_107, %dot_general3A_108 {dimension_numbers = #tpu.dot_dimension_numbers<[1], [1], [0], [0], [0, 0, 1, 0], [], []>, transpose_lhs_hint = false} : vector<1x128xf32>, vector<128x128xf32>, vector<1x128xf32> -> vector<1x128xf32>
    %slice3A_110 = vector.extract_strided_slice %max3A_79 {offsets = [1152, 0], sizes = [128, 128], strides = [1, 1]} : vector<4096x128xf32> to vector<128x128xf32>
    %dot_general3A_111 = arith.constant dense<0.000000e+00> : vector<1x128xf32>
    %dot_general3A_112 = tpu.matmul %get3A_82, %slice3A_110, %dot_general3A_111 {dimension_numbers = #tpu.dot_dimension_numbers<[1], [1], [0], [0], [0, 0, 1, 0], [], []>, transpose_lhs_hint = false} : vector<1x128xf32>, vector<128x128xf32>, vector<1x128xf32> -> vector<1x128xf32>
    %slice3A_113 = vector.extract_strided_slice %max3A_79 {offsets = [1280, 0], sizes = [128, 128], strides = [1, 1]} : vector<4096x128xf32> to vector<128x128xf32>
    %dot_general3A_114 = arith.constant dense<0.000000e+00> : vector<1x128xf32>
    %dot_general3A_115 = tpu.matmul %get3A_82, %slice3A_113, %dot_general3A_114 {dimension_numbers = #tpu.dot_dimension_numbers<[1], [1], [0], [0], [0, 0, 1, 0], [], []>, transpose_lhs_hint = false} : vector<1x128xf32>, vector<128x128xf32>, vector<1x128xf32> -> vector<1x128xf32>
    %slice3A_116 = vector.extract_strided_slice %max3A_79 {offsets = [1408, 0], sizes = [128, 128], strides = [1, 1]} : vector<4096x128xf32> to vector<128x128xf32>
    %dot_general3A_117 = arith.constant dense<0.000000e+00> : vector<1x128xf32>
    %dot_general3A_118 = tpu.matmul %get3A_82, %slice3A_116, %dot_general3A_117 {dimension_numbers = #tpu.dot_dimension_numbers<[1], [1], [0], [0], [0, 0, 1, 0], [], []>, transpose_lhs_hint = false} : vector<1x128xf32>, vector<128x128xf32>, vector<1x128xf32> -> vector<1x128xf32>
    %slice3A_119 = vector.extract_strided_slice %max3A_79 {offsets = [1536, 0], sizes = [128, 128], strides = [1, 1]} : vector<4096x128xf32> to vector<128x128xf32>
    %dot_general3A_120 = arith.constant dense<0.000000e+00> : vector<1x128xf32>
    %dot_general3A_121 = tpu.matmul %get3A_82, %slice3A_119, %dot_general3A_120 {dimension_numbers = #tpu.dot_dimension_numbers<[1], [1], [0], [0], [0, 0, 1, 0], [], []>, transpose_lhs_hint = false} : vector<1x128xf32>, vector<128x128xf32>, vector<1x128xf32> -> vector<1x128xf32>
    %slice3A_122 = vector.extract_strided_slice %max3A_79 {offsets = [1664, 0], sizes = [128, 128], strides = [1, 1]} : vector<4096x128xf32> to vector<128x128xf32>
    %dot_general3A_123 = arith.constant dense<0.000000e+00> : vector<1x128xf32>
    %dot_general3A_124 = tpu.matmul %get3A_82, %slice3A_122, %dot_general3A_123 {dimension_numbers = #tpu.dot_dimension_numbers<[1], [1], [0], [0], [0, 0, 1, 0], [], []>, transpose_lhs_hint = false} : vector<1x128xf32>, vector<128x128xf32>, vector<1x128xf32> -> vector<1x128xf32>
    %slice3A_125 = vector.extract_strided_slice %max3A_79 {offsets = [1792, 0], sizes = [128, 128], strides = [1, 1]} : vector<4096x128xf32> to vector<128x128xf32>
    %dot_general3A_126 = arith.constant dense<0.000000e+00> : vector<1x128xf32>
    %dot_general3A_127 = tpu.matmul %get3A_82, %slice3A_125, %dot_general3A_126 {dimension_numbers = #tpu.dot_dimension_numbers<[1], [1], [0], [0], [0, 0, 1, 0], [], []>, transpose_lhs_hint = false} : vector<1x128xf32>, vector<128x128xf32>, vector<1x128xf32> -> vector<1x128xf32>
    %slice3A_128 = vector.extract_strided_slice %max3A_79 {offsets = [1920, 0], sizes = [128, 128], strides = [1, 1]} : vector<4096x128xf32> to vector<128x128xf32>
    %dot_general3A_129 = arith.constant dense<0.000000e+00> : vector<1x128xf32>
    %dot_general3A_130 = tpu.matmul %get3A_82, %slice3A_128, %dot_general3A_129 {dimension_numbers = #tpu.dot_dimension_numbers<[1], [1], [0], [0], [0, 0, 1, 0], [], []>, transpose_lhs_hint = false} : vector<1x128xf32>, vector<128x128xf32>, vector<1x128xf32> -> vector<1x128xf32>
    %slice3A_131 = vector.extract_strided_slice %max3A_79 {offsets = [2048, 0], sizes = [128, 128], strides = [1, 1]} : vector<4096x128xf32> to vector<128x128xf32>
    %dot_general3A_132 = arith.constant dense<0.000000e+00> : vector<1x128xf32>
    %dot_general3A_133 = tpu.matmul %get3A_82, %slice3A_131, %dot_general3A_132 {dimension_numbers = #tpu.dot_dimension_numbers<[1], [1], [0], [0], [0, 0, 1, 0], [], []>, transpose_lhs_hint = false} : vector<1x128xf32>, vector<128x128xf32>, vector<1x128xf32> -> vector<1x128xf32>
    %slice3A_134 = vector.extract_strided_slice %max3A_79 {offsets = [2176, 0], sizes = [128, 128], strides = [1, 1]} : vector<4096x128xf32> to vector<128x128xf32>
    %dot_general3A_135 = arith.constant dense<0.000000e+00> : vector<1x128xf32>
    %dot_general3A_136 = tpu.matmul %get3A_82, %slice3A_134, %dot_general3A_135 {dimension_numbers = #tpu.dot_dimension_numbers<[1], [1], [0], [0], [0, 0, 1, 0], [], []>, transpose_lhs_hint = false} : vector<1x128xf32>, vector<128x128xf32>, vector<1x128xf32> -> vector<1x128xf32>
    %slice3A_137 = vector.extract_strided_slice %max3A_79 {offsets = [2304, 0], sizes = [128, 128], strides = [1, 1]} : vector<4096x128xf32> to vector<128x128xf32>
    %dot_general3A_138 = arith.constant dense<0.000000e+00> : vector<1x128xf32>
    %dot_general3A_139 = tpu.matmul %get3A_82, %slice3A_137, %dot_general3A_138 {dimension_numbers = #tpu.dot_dimension_numbers<[1], [1], [0], [0], [0, 0, 1, 0], [], []>, transpose_lhs_hint = false} : vector<1x128xf32>, vector<128x128xf32>, vector<1x128xf32> -> vector<1x128xf32>
    %slice3A_140 = vector.extract_strided_slice %max3A_79 {offsets = [2432, 0], sizes = [128, 128], strides = [1, 1]} : vector<4096x128xf32> to vector<128x128xf32>
    %dot_general3A_141 = arith.constant dense<0.000000e+00> : vector<1x128xf32>
    %dot_general3A_142 = tpu.matmul %get3A_82, %slice3A_140, %dot_general3A_141 {dimension_numbers = #tpu.dot_dimension_numbers<[1], [1], [0], [0], [0, 0, 1, 0], [], []>, transpose_lhs_hint = false} : vector<1x128xf32>, vector<128x128xf32>, vector<1x128xf32> -> vector<1x128xf32>
    %slice3A_143 = vector.extract_strided_slice %max3A_79 {offsets = [2560, 0], sizes = [128, 128], strides = [1, 1]} : vector<4096x128xf32> to vector<128x128xf32>
    %dot_general3A_144 = arith.constant dense<0.000000e+00> : vector<1x128xf32>
    %dot_general3A_145 = tpu.matmul %get3A_82, %slice3A_143, %dot_general3A_144 {dimension_numbers = #tpu.dot_dimension_numbers<[1], [1], [0], [0], [0, 0, 1, 0], [], []>, transpose_lhs_hint = false} : vector<1x128xf32>, vector<128x128xf32>, vector<1x128xf32> -> vector<1x128xf32>
    %slice3A_146 = vector.extract_strided_slice %max3A_79 {offsets = [2688, 0], sizes = [128, 128], strides = [1, 1]} : vector<4096x128xf32> to vector<128x128xf32>
    %dot_general3A_147 = arith.constant dense<0.000000e+00> : vector<1x128xf32>
    %dot_general3A_148 = tpu.matmul %get3A_82, %slice3A_146, %dot_general3A_147 {dimension_numbers = #tpu.dot_dimension_numbers<[1], [1], [0], [0], [0, 0, 1, 0], [], []>, transpose_lhs_hint = false} : vector<1x128xf32>, vector<128x128xf32>, vector<1x128xf32> -> vector<1x128xf32>
    %slice3A_149 = vector.extract_strided_slice %max3A_79 {offsets = [2816, 0], sizes = [128, 128], strides = [1, 1]} : vector<4096x128xf32> to vector<128x128xf32>
    %dot_general3A_150 = arith.constant dense<0.000000e+00> : vector<1x128xf32>
    %dot_general3A_151 = tpu.matmul %get3A_82, %slice3A_149, %dot_general3A_150 {dimension_numbers = #tpu.dot_dimension_numbers<[1], [1], [0], [0], [0, 0, 1, 0], [], []>, transpose_lhs_hint = false} : vector<1x128xf32>, vector<128x128xf32>, vector<1x128xf32> -> vector<1x128xf32>
    %slice3A_152 = vector.extract_strided_slice %max3A_79 {offsets = [2944, 0], sizes = [128, 128], strides = [1, 1]} : vector<4096x128xf32> to vector<128x128xf32>
    %dot_general3A_153 = arith.constant dense<0.000000e+00> : vector<1x128xf32>
    %dot_general3A_154 = tpu.matmul %get3A_82, %slice3A_152, %dot_general3A_153 {dimension_numbers = #tpu.dot_dimension_numbers<[1], [1], [0], [0], [0, 0, 1, 0], [], []>, transpose_lhs_hint = false} : vector<1x128xf32>, vector<128x128xf32>, vector<1x128xf32> -> vector<1x128xf32>
    %slice3A_155 = vector.extract_strided_slice %max3A_79 {offsets = [3072, 0], sizes = [128, 128], strides = [1, 1]} : vector<4096x128xf32> to vector<128x128xf32>
    %dot_general3A_156 = arith.constant dense<0.000000e+00> : vector<1x128xf32>
    %dot_general3A_157 = tpu.matmul %get3A_82, %slice3A_155, %dot_general3A_156 {dimension_numbers = #tpu.dot_dimension_numbers<[1], [1], [0], [0], [0, 0, 1, 0], [], []>, transpose_lhs_hint = false} : vector<1x128xf32>, vector<128x128xf32>, vector<1x128xf32> -> vector<1x128xf32>
    %slice3A_158 = vector.extract_strided_slice %max3A_79 {offsets = [3200, 0], sizes = [128, 128], strides = [1, 1]} : vector<4096x128xf32> to vector<128x128xf32>
    %dot_general3A_159 = arith.constant dense<0.000000e+00> : vector<1x128xf32>
    %dot_general3A_160 = tpu.matmul %get3A_82, %slice3A_158, %dot_general3A_159 {dimension_numbers = #tpu.dot_dimension_numbers<[1], [1], [0], [0], [0, 0, 1, 0], [], []>, transpose_lhs_hint = false} : vector<1x128xf32>, vector<128x128xf32>, vector<1x128xf32> -> vector<1x128xf32>
    %slice3A_161 = vector.extract_strided_slice %max3A_79 {offsets = [3328, 0], sizes = [128, 128], strides = [1, 1]} : vector<4096x128xf32> to vector<128x128xf32>
    %dot_general3A_162 = arith.constant dense<0.000000e+00> : vector<1x128xf32>
    %dot_general3A_163 = tpu.matmul %get3A_82, %slice3A_161, %dot_general3A_162 {dimension_numbers = #tpu.dot_dimension_numbers<[1], [1], [0], [0], [0, 0, 1, 0], [], []>, transpose_lhs_hint = false} : vector<1x128xf32>, vector<128x128xf32>, vector<1x128xf32> -> vector<1x128xf32>
    %slice3A_164 = vector.extract_strided_slice %max3A_79 {offsets = [3456, 0], sizes = [128, 128], strides = [1, 1]} : vector<4096x128xf32> to vector<128x128xf32>
    %dot_general3A_165 = arith.constant dense<0.000000e+00> : vector<1x128xf32>
    %dot_general3A_166 = tpu.matmul %get3A_82, %slice3A_164, %dot_general3A_165 {dimension_numbers = #tpu.dot_dimension_numbers<[1], [1], [0], [0], [0, 0, 1, 0], [], []>, transpose_lhs_hint = false} : vector<1x128xf32>, vector<128x128xf32>, vector<1x128xf32> -> vector<1x128xf32>
    %slice3A_167 = vector.extract_strided_slice %max3A_79 {offsets = [3584, 0], sizes = [128, 128], strides = [1, 1]} : vector<4096x128xf32> to vector<128x128xf32>
    %dot_general3A_168 = arith.constant dense<0.000000e+00> : vector<1x128xf32>
    %dot_general3A_169 = tpu.matmul %get3A_82, %slice3A_167, %dot_general3A_168 {dimension_numbers = #tpu.dot_dimension_numbers<[1], [1], [0], [0], [0, 0, 1, 0], [], []>, transpose_lhs_hint = false} : vector<1x128xf32>, vector<128x128xf32>, vector<1x128xf32> -> vector<1x128xf32>
    %slice3A_170 = vector.extract_strided_slice %max3A_79 {offsets = [3712, 0], sizes = [128, 128], strides = [1, 1]} : vector<4096x128xf32> to vector<128x128xf32>
    %dot_general3A_171 = arith.constant dense<0.000000e+00> : vector<1x128xf32>
    %dot_general3A_172 = tpu.matmul %get3A_82, %slice3A_170, %dot_general3A_171 {dimension_numbers = #tpu.dot_dimension_numbers<[1], [1], [0], [0], [0, 0, 1, 0], [], []>, transpose_lhs_hint = false} : vector<1x128xf32>, vector<128x128xf32>, vector<1x128xf32> -> vector<1x128xf32>
    %slice3A_173 = vector.extract_strided_slice %max3A_79 {offsets = [3840, 0], sizes = [128, 128], strides = [1, 1]} : vector<4096x128xf32> to vector<128x128xf32>
    %dot_general3A_174 = arith.constant dense<0.000000e+00> : vector<1x128xf32>
    %dot_general3A_175 = tpu.matmul %get3A_82, %slice3A_173, %dot_general3A_174 {dimension_numbers = #tpu.dot_dimension_numbers<[1], [1], [0], [0], [0, 0, 1, 0], [], []>, transpose_lhs_hint = false} : vector<1x128xf32>, vector<128x128xf32>, vector<1x128xf32> -> vector<1x128xf32>
    %slice3A_176 = vector.extract_strided_slice %max3A_79 {offsets = [3968, 0], sizes = [128, 128], strides = [1, 1]} : vector<4096x128xf32> to vector<128x128xf32>
    %dot_general3A_177 = arith.constant dense<0.000000e+00> : vector<1x128xf32>
    %dot_general3A_178 = tpu.matmul %get3A_82, %slice3A_176, %dot_general3A_177 {dimension_numbers = #tpu.dot_dimension_numbers<[1], [1], [0], [0], [0, 0, 1, 0], [], []>, transpose_lhs_hint = false} : vector<1x128xf32>, vector<128x128xf32>, vector<1x128xf32> -> vector<1x128xf32>
    %concatenate3A_179 = tpu.concatenate %dot_general3A_85, %dot_general3A_88, %dot_general3A_91, %dot_general3A_94, %dot_general3A_97, %dot_general3A_100, %dot_general3A_103, %dot_general3A_106, %dot_general3A_109, %dot_general3A_112, %dot_general3A_115, %dot_general3A_118, %dot_general3A_121, %dot_general3A_124, %dot_general3A_127, %dot_general3A_130, %dot_general3A_133, %dot_general3A_136, %dot_general3A_139, %dot_general3A_142, %dot_general3A_145, %dot_general3A_148, %dot_general3A_151, %dot_general3A_154, %dot_general3A_157, %dot_general3A_160, %dot_general3A_163, %dot_general3A_166, %dot_general3A_169, %dot_general3A_172, %dot_general3A_175, %dot_general3A_178 in 0 : vector<1x128xf32>, vector<1x128xf32>, vector<1x128xf32>, vector<1x128xf32>, vector<1x128xf32>, vector<1x128xf32>, vector<1x128xf32>, vector<1x128xf32>, vector<1x128xf32>, vector<1x128xf32>, vector<1x128xf32>, vector<1x128xf32>, vector<1x128xf32>, vector<1x128xf32>, vector<1x128xf32>, vector<1x128xf32>, vector<1x128xf32>, vector<1x128xf32>, vector<1x128xf32>, vector<1x128xf32>, vector<1x128xf32>, vector<1x128xf32>, vector<1x128xf32>, vector<1x128xf32>, vector<1x128xf32>, vector<1x128xf32>, vector<1x128xf32>, vector<1x128xf32>, vector<1x128xf32>, vector<1x128xf32>, vector<1x128xf32>, vector<1x128xf32> -> vector<32x128xf32>
    %get3A_180 = arith.constant 0 : index
    %get3A_181 = arith.constant 0 : index
    %get3A_182 = memref.load %arg15[%get3A_180, %get3A_181] : memref<1x1xf32, #tpu.memory_space<smem>>
    %add3A_183 = vector.broadcast %get3A_182 : f32 to vector<32x128xf32>
    %add3A_184 = arith.addf %concatenate3A_179, %add3A_183 : vector<32x128xf32>
    %swap3A = arith.constant 0 : index
    %swap3A_185 = arith.constant 0 : index
    %swap3A_186 = vector.load %arg16[%swap3A, %swap3A_185] : memref<32x128xf32, #tpu.memory_space<vmem>>, vector<32x128xf32>
    tpu.vector_store %arg16[%swap3A, %swap3A_185], %add3A_184 {strides = array<i32>} : memref<32x128xf32, #tpu.memory_space<vmem>>, vector<32x128xf32>,
    return
  }
  func.func @transform_0(%arg0: i32) -> (i32, i32) {
    %add3A = arith.constant 2 : i32
    %add3A_0 = arith.addi %add3A, %arg0 : i32
    %c0_i32 = arith.constant 0 : i32
    %c0_i32_1 = arith.constant 0 : i32
    return %add3A_0, %c0_i32 : i32, i32
  }
  func.func @transform_1(%arg0: i32) -> (i32, i32) {
    %c0_i32 = arith.constant 0 : i32
    %c0_i32_0 = arith.constant 0 : i32
    return %arg0, %c0_i32 : i32, i32
  }
  func.func @transform_2(%arg0: i32) -> (i32, i32) {
    %c0_i32 = arith.constant 0 : i32
    %c0_i32_0 = arith.constant 0 : i32
    return %arg0, %c0_i32 : i32, i32
  }
  func.func @transform_3(%arg0: i32) -> (i32, i32) {
    %c0_i32 = arith.constant 0 : i32
    %c0_i32_0 = arith.constant 0 : i32
    %c0_i32_1 = arith.constant 0 : i32
    return %c0_i32, %c0_i32_0 : i32, i32
  }
  func.func @transform_4(%arg0: i32) -> (i32, i32) {
    %c0_i32 = arith.constant 0 : i32
    %c0_i32_0 = arith.constant 0 : i32
    %c0_i32_1 = arith.constant 0 : i32
    return %c0_i32, %c0_i32_0 : i32, i32
  }
  func.func @transform_5(%arg0: i32) -> (i32, i32) {
    %c0_i32 = arith.constant 0 : i32
    %c0_i32_0 = arith.constant 0 : i32
    %c0_i32_1 = arith.constant 0 : i32
    return %c0_i32, %c0_i32_0 : i32, i32
  }
  func.func @transform_6(%arg0: i32) -> (i32, i32) {
    %c0_i32 = arith.constant 0 : i32
    %c0_i32_0 = arith.constant 0 : i32
    %c0_i32_1 = arith.constant 0 : i32
    return %c0_i32, %c0_i32_0 : i32, i32
  }
  func.func @transform_7(%arg0: i32) -> (i32, i32) {
    %c0_i32 = arith.constant 0 : i32
    %c0_i32_0 = arith.constant 0 : i32
    %c0_i32_1 = arith.constant 0 : i32
    return %c0_i32, %c0_i32_0 : i32, i32
  }
  func.func @transform_8(%arg0: i32) -> (i32, i32) {
    %c0_i32 = arith.constant 0 : i32
    %c0_i32_0 = arith.constant 0 : i32
    %c0_i32_1 = arith.constant 0 : i32
    return %c0_i32, %c0_i32_0 : i32, i32
  }
  func.func @transform_9(%arg0: i32) -> (i32, i32) {
    %c0_i32 = arith.constant 0 : i32
    %c0_i32_0 = arith.constant 0 : i32
    %c0_i32_1 = arith.constant 0 : i32
    return %c0_i32, %c0_i32_0 : i32, i32
  }
  func.func @transform_10(%arg0: i32) -> (i32, i32) {
    %c0_i32 = arith.constant 0 : i32
    %c0_i32_0 = arith.constant 0 : i32
    %c0_i32_1 = arith.constant 0 : i32
    return %c0_i32, %c0_i32_0 : i32, i32
  }
  func.func @transform_11(%arg0: i32) -> (i32, i32) {
    %c0_i32 = arith.constant 0 : i32
    %c0_i32_0 = arith.constant 0 : i32
    %c0_i32_1 = arith.constant 0 : i32
    return %c0_i32, %c0_i32_0 : i32, i32
  }
  func.func @transform_12(%arg0: i32) -> (i32, i32) {
    %c0_i32 = arith.constant 0 : i32
    %c0_i32_0 = arith.constant 0 : i32
    %c0_i32_1 = arith.constant 0 : i32
    return %c0_i32, %c0_i32_0 : i32, i32
  }
  func.func @transform_13(%arg0: i32) -> (i32, i32) {
    %c0_i32 = arith.constant 0 : i32
    %c0_i32_0 = arith.constant 0 : i32
    %c0_i32_1 = arith.constant 0 : i32
    return %c0_i32, %c0_i32_0 : i32, i32
  }
  func.func @transform_14(%arg0: i32) -> (i32, i32) {
    %c0_i32 = arith.constant 0 : i32
    %c0_i32_0 = arith.constant 0 : i32
    %c0_i32_1 = arith.constant 0 : i32
    return %c0_i32, %c0_i32_0 : i32, i32
  }
  func.func @transform_15(%arg0: i32) -> (i32, i32) {
    %c0_i32 = arith.constant 0 : i32
    %c0_i32_0 = arith.constant 0 : i32
    return %arg0, %c0_i32 : i32, i32
  }
}

module attributes {stable_mosaic.version = 14 : i64} {
  func.func @_dense_body(%arg0: i32, %arg1: memref<4096x55xbf16, #tpu.memory_space<vmem>>, %arg2: memref<4096x128xf32, #tpu.memory_space<vmem>>, %arg3: memref<4096x128xf32, #tpu.memory_space<vmem>>, %arg4: memref<128x18xf32, #tpu.memory_space<vmem>>, %arg5: memref<1x128xf32, #tpu.memory_space<vmem>>, %arg6: memref<128x21xf32, #tpu.memory_space<vmem>>, %arg7: memref<1x128xf32, #tpu.memory_space<vmem>>, %arg8: memref<8x128xf32, #tpu.memory_space<vmem>>, %arg9: memref<8x128xf32, #tpu.memory_space<vmem>>, %arg10: memref<256x768xf32, #tpu.memory_space<vmem>>, %arg11: memref<1x256xf32, #tpu.memory_space<vmem>>, %arg12: memref<128x256xf32, #tpu.memory_space<vmem>>, %arg13: memref<1x128xf32, #tpu.memory_space<vmem>>, %arg14: memref<1x128xf32, #tpu.memory_space<vmem>>, %arg15: memref<1x1xf32, #tpu.memory_space<smem>>, %arg16: memref<32x128xf32, #tpu.memory_space<vmem>>) attributes {dimension_semantics = [#tpu.dimension_semantics<arbitrary>], iteration_bounds = array<i64: 2>, scalar_prefetch = 0 : i64, scratch_operands = 0 : i64, tpu.core_type = #tpu.core_type<tc>, window_params = [{transform_indices = @transform_0, window_bounds = array<i64: 4096, 55>}, {transform_indices = @transform_1, window_bounds = array<i64: 4096, 128>}, {transform_indices = @transform_2, window_bounds = array<i64: 4096, 128>}, {pipeline_mode = #tpu.pipeline_mode<synchronous>, transform_indices = @transform_3, window_bounds = array<i64: 128, 18>}, {pipeline_mode = #tpu.pipeline_mode<synchronous>, transform_indices = @transform_4, window_bounds = array<i64: 1, 128>}, {pipeline_mode = #tpu.pipeline_mode<synchronous>, transform_indices = @transform_5, window_bounds = array<i64: 128, 21>}, {pipeline_mode = #tpu.pipeline_mode<synchronous>, transform_indices = @transform_6, window_bounds = array<i64: 1, 128>}, {pipeline_mode = #tpu.pipeline_mode<synchronous>, transform_indices = @transform_7, window_bounds = array<i64: 8, 128>}, {pipeline_mode = #tpu.pipeline_mode<synchronous>, transform_indices = @transform_8, window_bounds = array<i64: 8, 128>}, {pipeline_mode = #tpu.pipeline_mode<synchronous>, transform_indices = @transform_9, window_bounds = array<i64: 256, 768>}, {pipeline_mode = #tpu.pipeline_mode<synchronous>, transform_indices = @transform_10, window_bounds = array<i64: 1, 256>}, {pipeline_mode = #tpu.pipeline_mode<synchronous>, transform_indices = @transform_11, window_bounds = array<i64: 128, 256>}, {pipeline_mode = #tpu.pipeline_mode<synchronous>, transform_indices = @transform_12, window_bounds = array<i64: 1, 128>}, {pipeline_mode = #tpu.pipeline_mode<synchronous>, transform_indices = @transform_13, window_bounds = array<i64: 1, 128>}, {transform_indices = @transform_14, window_bounds = array<i64: 1, 1>}, {transform_indices = @transform_15, window_bounds = array<i64: 32, 128>}]} {
    %get3A = arith.constant 0 : index
    %get3A_0 = arith.constant 0 : index
    %get3A_1 = vector.load %arg1[%get3A, %get3A_0] : memref<4096x55xbf16, #tpu.memory_space<vmem>>, vector<4096x55xbf16>
    %convert_element_type3A = arith.extf %get3A_1 : vector<4096x55xbf16> to vector<4096x55xf32>
    %slice3A = vector.extract_strided_slice %convert_element_type3A {offsets = [0, 0], sizes = [4096, 18], strides = [1, 1]} : vector<4096x55xf32> to vector<4096x18xf32>
    %get3A_2 = arith.constant 0 : index
    %get3A_3 = arith.constant 0 : index
    %get3A_4 = vector.load %arg4[%get3A_2, %get3A_3] : memref<128x18xf32, #tpu.memory_space<vmem>>, vector<128x18xf32>
    %dot_general3A = arith.constant dense<0.000000e+00> : vector<4096x128xf32>
    %dot_general3A_5 = tpu.matmul %slice3A, %get3A_4, %dot_general3A {dimension_numbers = #tpu.dot_dimension_numbers<[1], [1], [0], [0], [0, 0, 1, 0], [], []>, transpose_lhs_hint = false} : vector<4096x18xf32>, vector<128x18xf32>, vector<4096x128xf32> -> vector<4096x128xf32>
    %get3A_6 = arith.constant 0 : index
    %get3A_7 = arith.constant 0 : index
    %get3A_8 = vector.load %arg5[%get3A_6, %get3A_7] : memref<1x128xf32, #tpu.memory_space<vmem>>, vector<1x128xf32>
    %add3A = vector.broadcast %get3A_8 : vector<1x128xf32> to vector<4096x128xf32>
    %add3A_9 = arith.addf %dot_general3A_5, %add3A : vector<4096x128xf32>
    %max3A = arith.constant 0.000000e+00 : f32
    %max3A_10 = vector.broadcast %max3A : f32 to vector<4096x128xf32>
    %max3A_11 = arith.maximumf %add3A_9, %max3A_10 : vector<4096x128xf32>
    %slice3A_12 = vector.extract_strided_slice %convert_element_type3A {offsets = [0, 18], sizes = [4096, 21], strides = [1, 1]} : vector<4096x55xf32> to vector<4096x21xf32>
    %get3A_13 = arith.constant 0 : index
    %get3A_14 = arith.constant 0 : index
    %get3A_15 = vector.load %arg6[%get3A_13, %get3A_14] : memref<128x21xf32, #tpu.memory_space<vmem>>, vector<128x21xf32>
    %dot_general3A_16 = arith.constant dense<0.000000e+00> : vector<4096x128xf32>
    %dot_general3A_17 = tpu.matmul %slice3A_12, %get3A_15, %dot_general3A_16 {dimension_numbers = #tpu.dot_dimension_numbers<[1], [1], [0], [0], [0, 0, 1, 0], [], []>, transpose_lhs_hint = false} : vector<4096x21xf32>, vector<128x21xf32>, vector<4096x128xf32> -> vector<4096x128xf32>
    %get3A_18 = arith.constant 0 : index
    %get3A_19 = arith.constant 0 : index
    %get3A_20 = vector.load %arg7[%get3A_18, %get3A_19] : memref<1x128xf32, #tpu.memory_space<vmem>>, vector<1x128xf32>
    %add3A_21 = vector.broadcast %get3A_20 : vector<1x128xf32> to vector<4096x128xf32>
    %add3A_22 = arith.addf %dot_general3A_17, %add3A_21 : vector<4096x128xf32>
    %max3A_23 = arith.constant 0.000000e+00 : f32
    %max3A_24 = vector.broadcast %max3A_23 : f32 to vector<4096x128xf32>
    %max3A_25 = arith.maximumf %add3A_22, %max3A_24 : vector<4096x128xf32>
    %slice3A_26 = vector.extract_strided_slice %convert_element_type3A {offsets = [0, 39], sizes = [4096, 16], strides = [1, 1]} : vector<4096x55xf32> to vector<4096x16xf32>
    %get3A_27 = arith.constant 0 : index
    %get3A_28 = arith.constant 0 : index
    %get3A_29 = vector.load %arg10[%get3A_27, %get3A_28] : memref<256x768xf32, #tpu.memory_space<vmem>>, vector<256x768xf32>
    %get3A_30 = arith.constant 0 : index
    %get3A_31 = arith.constant 0 : index
    %get3A_32 = vector.load %arg8[%get3A_30, %get3A_31] : memref<8x128xf32, #tpu.memory_space<vmem>>, vector<8x128xf32>
    %slice3A_33 = vector.extract_strided_slice %get3A_29 {offsets = [0, 512], sizes = [256, 128], strides = [1, 1]} : vector<256x768xf32> to vector<256x128xf32>
    %dot_general3A_34 = arith.constant dense<0.000000e+00> : vector<8x256xf32>
    %dot_general3A_35 = tpu.matmul %get3A_32, %slice3A_33, %dot_general3A_34 {dimension_numbers = #tpu.dot_dimension_numbers<[1], [1], [0], [0], [0, 0, 1, 0], [], []>, transpose_lhs_hint = false} : vector<8x128xf32>, vector<256x128xf32>, vector<8x256xf32> -> vector<8x256xf32>
    %get3A_36 = arith.constant 0 : index
    %get3A_37 = arith.constant 0 : index
    %get3A_38 = vector.load %arg9[%get3A_36, %get3A_37] : memref<8x128xf32, #tpu.memory_space<vmem>>, vector<8x128xf32>
    %slice3A_39 = vector.extract_strided_slice %get3A_29 {offsets = [0, 640], sizes = [256, 128], strides = [1, 1]} : vector<256x768xf32> to vector<256x128xf32>
    %dot_general3A_40 = arith.constant dense<0.000000e+00> : vector<8x256xf32>
    %dot_general3A_41 = tpu.matmul %get3A_38, %slice3A_39, %dot_general3A_40 {dimension_numbers = #tpu.dot_dimension_numbers<[1], [1], [0], [0], [0, 0, 1, 0], [], []>, transpose_lhs_hint = false} : vector<8x128xf32>, vector<256x128xf32>, vector<8x256xf32> -> vector<8x256xf32>
    %concatenate3A = tpu.concatenate %dot_general3A_35, %dot_general3A_41 in 0 : vector<8x256xf32>, vector<8x256xf32> -> vector<16x256xf32>
    %dot_general3A_42 = arith.constant dense<0.000000e+00> : vector<4096x256xf32>
    %dot_general3A_43 = tpu.matmul %slice3A_26, %concatenate3A, %dot_general3A_42 {dimension_numbers = #tpu.dot_dimension_numbers<[1], [0], [0], [1], [0, 0, 1, 1], [], []>, transpose_lhs_hint = false} : vector<4096x16xf32>, vector<16x256xf32>, vector<4096x256xf32> -> vector<4096x256xf32>
    %get3A_44 = arith.constant 0 : index
    %get3A_45 = arith.constant 0 : index
    %get3A_46 = vector.load %arg2[%get3A_44, %get3A_45] : memref<4096x128xf32, #tpu.memory_space<vmem>>, vector<4096x128xf32>
    %get3A_47 = arith.constant 0 : index
    %get3A_48 = arith.constant 0 : index
    %get3A_49 = vector.load %arg3[%get3A_47, %get3A_48] : memref<4096x128xf32, #tpu.memory_space<vmem>>, vector<4096x128xf32>
    %concatenate3A_50 = tpu.concatenate %get3A_46, %get3A_49, %max3A_11, %max3A_25 in 1 : vector<4096x128xf32>, vector<4096x128xf32>, vector<4096x128xf32>, vector<4096x128xf32> -> vector<4096x512xf32>
    %convert_element_type3A_51 = arith.truncf %concatenate3A_50 : vector<4096x512xf32> to vector<4096x512xbf16>
    %slice3A_52 = vector.extract_strided_slice %get3A_29 {offsets = [0, 0], sizes = [256, 512], strides = [1, 1]} : vector<256x768xf32> to vector<256x512xf32>
    %convert_element_type3A_53 = arith.truncf %slice3A_52 : vector<256x512xf32> to vector<256x512xbf16>
    %dot_general3A_54 = arith.constant dense<0.000000e+00> : vector<4096x256xf32>
    %dot_general3A_55 = tpu.matmul %convert_element_type3A_51, %convert_element_type3A_53, %dot_general3A_54 {dimension_numbers = #tpu.dot_dimension_numbers<[1], [1], [0], [0], [0, 0, 1, 0], [], []>, transpose_lhs_hint = false} : vector<4096x512xbf16>, vector<256x512xbf16>, vector<4096x256xf32> -> vector<4096x256xf32>
    %add3A_56 = arith.addf %dot_general3A_55, %dot_general3A_43 : vector<4096x256xf32>
    %get3A_57 = arith.constant 0 : index
    %get3A_58 = arith.constant 0 : index
    %get3A_59 = vector.load %arg11[%get3A_57, %get3A_58] : memref<1x256xf32, #tpu.memory_space<vmem>>, vector<1x256xf32>
    %add3A_60 = vector.broadcast %get3A_59 : vector<1x256xf32> to vector<4096x256xf32>
    %add3A_61 = arith.addf %add3A_56, %add3A_60 : vector<4096x256xf32>
    %max3A_62 = arith.constant 0.000000e+00 : f32
    %max3A_63 = vector.broadcast %max3A_62 : f32 to vector<4096x256xf32>
    %max3A_64 = arith.maximumf %add3A_61, %max3A_63 : vector<4096x256xf32>
    %convert_element_type3A_65 = arith.truncf %max3A_64 : vector<4096x256xf32> to vector<4096x256xbf16>
    %get3A_66 = arith.constant 0 : index
    %get3A_67 = arith.constant 0 : index
    %get3A_68 = vector.load %arg12[%get3A_66, %get3A_67] : memref<128x256xf32, #tpu.memory_space<vmem>>, vector<128x256xf32>
    %convert_element_type3A_69 = arith.truncf %get3A_68 : vector<128x256xf32> to vector<128x256xbf16>
    %dot_general3A_70 = arith.constant dense<0.000000e+00> : vector<4096x128xf32>
    %dot_general3A_71 = tpu.matmul %convert_element_type3A_65, %convert_element_type3A_69, %dot_general3A_70 {dimension_numbers = #tpu.dot_dimension_numbers<[1], [1], [0], [0], [0, 0, 1, 0], [], []>, transpose_lhs_hint = false} : vector<4096x256xbf16>, vector<128x256xbf16>, vector<4096x128xf32> -> vector<4096x128xf32>
    %get3A_72 = arith.constant 0 : index
    %get3A_73 = arith.constant 0 : index
    %get3A_74 = vector.load %arg13[%get3A_72, %get3A_73] : memref<1x128xf32, #tpu.memory_space<vmem>>, vector<1x128xf32>
    %add3A_75 = vector.broadcast %get3A_74 : vector<1x128xf32> to vector<4096x128xf32>
    %add3A_76 = arith.addf %dot_general3A_71, %add3A_75 : vector<4096x128xf32>
    %max3A_77 = arith.constant 0.000000e+00 : f32
    %max3A_78 = vector.broadcast %max3A_77 : f32 to vector<4096x128xf32>
    %max3A_79 = arith.maximumf %add3A_76, %max3A_78 : vector<4096x128xf32>
    %get3A_80 = arith.constant 0 : index
    %get3A_81 = arith.constant 0 : index
    %get3A_82 = vector.load %arg14[%get3A_80, %get3A_81] : memref<1x128xf32, #tpu.memory_space<vmem>>, vector<1x128xf32>
    %slice3A_83 = vector.extract_strided_slice %max3A_79 {offsets = [0, 0], sizes = [128, 128], strides = [1, 1]} : vector<4096x128xf32> to vector<128x128xf32>
    %dot_general3A_84 = arith.constant dense<0.000000e+00> : vector<1x128xf32>
    %dot_general3A_85 = tpu.matmul %get3A_82, %slice3A_83, %dot_general3A_84 {dimension_numbers = #tpu.dot_dimension_numbers<[1], [1], [0], [0], [0, 0, 1, 0], [], []>, transpose_lhs_hint = false} : vector<1x128xf32>, vector<128x128xf32>, vector<1x128xf32> -> vector<1x128xf32>
    %slice3A_86 = vector.extract_strided_slice %max3A_79 {offsets = [128, 0], sizes = [128, 128], strides = [1, 1]} : vector<4096x128xf32> to vector<128x128xf32>
    %dot_general3A_87 = arith.constant dense<0.000000e+00> : vector<1x128xf32>
    %dot_general3A_88 = tpu.matmul %get3A_82, %slice3A_86, %dot_general3A_87 {dimension_numbers = #tpu.dot_dimension_numbers<[1], [1], [0], [0], [0, 0, 1, 0], [], []>, transpose_lhs_hint = false} : vector<1x128xf32>, vector<128x128xf32>, vector<1x128xf32> -> vector<1x128xf32>
    %slice3A_89 = vector.extract_strided_slice %max3A_79 {offsets = [256, 0], sizes = [128, 128], strides = [1, 1]} : vector<4096x128xf32> to vector<128x128xf32>
    %dot_general3A_90 = arith.constant dense<0.000000e+00> : vector<1x128xf32>
    %dot_general3A_91 = tpu.matmul %get3A_82, %slice3A_89, %dot_general3A_90 {dimension_numbers = #tpu.dot_dimension_numbers<[1], [1], [0], [0], [0, 0, 1, 0], [], []>, transpose_lhs_hint = false} : vector<1x128xf32>, vector<128x128xf32>, vector<1x128xf32> -> vector<1x128xf32>
    %slice3A_92 = vector.extract_strided_slice %max3A_79 {offsets = [384, 0], sizes = [128, 128], strides = [1, 1]} : vector<4096x128xf32> to vector<128x128xf32>
    %dot_general3A_93 = arith.constant dense<0.000000e+00> : vector<1x128xf32>
    %dot_general3A_94 = tpu.matmul %get3A_82, %slice3A_92, %dot_general3A_93 {dimension_numbers = #tpu.dot_dimension_numbers<[1], [1], [0], [0], [0, 0, 1, 0], [], []>, transpose_lhs_hint = false} : vector<1x128xf32>, vector<128x128xf32>, vector<1x128xf32> -> vector<1x128xf32>
    %slice3A_95 = vector.extract_strided_slice %max3A_79 {offsets = [512, 0], sizes = [128, 128], strides = [1, 1]} : vector<4096x128xf32> to vector<128x128xf32>
    %dot_general3A_96 = arith.constant dense<0.000000e+00> : vector<1x128xf32>
    %dot_general3A_97 = tpu.matmul %get3A_82, %slice3A_95, %dot_general3A_96 {dimension_numbers = #tpu.dot_dimension_numbers<[1], [1], [0], [0], [0, 0, 1, 0], [], []>, transpose_lhs_hint = false} : vector<1x128xf32>, vector<128x128xf32>, vector<1x128xf32> -> vector<1x128xf32>
    %slice3A_98 = vector.extract_strided_slice %max3A_79 {offsets = [640, 0], sizes = [128, 128], strides = [1, 1]} : vector<4096x128xf32> to vector<128x128xf32>
    %dot_general3A_99 = arith.constant dense<0.000000e+00> : vector<1x128xf32>
    %dot_general3A_100 = tpu.matmul %get3A_82, %slice3A_98, %dot_general3A_99 {dimension_numbers = #tpu.dot_dimension_numbers<[1], [1], [0], [0], [0, 0, 1, 0], [], []>, transpose_lhs_hint = false} : vector<1x128xf32>, vector<128x128xf32>, vector<1x128xf32> -> vector<1x128xf32>
    %slice3A_101 = vector.extract_strided_slice %max3A_79 {offsets = [768, 0], sizes = [128, 128], strides = [1, 1]} : vector<4096x128xf32> to vector<128x128xf32>
    %dot_general3A_102 = arith.constant dense<0.000000e+00> : vector<1x128xf32>
    %dot_general3A_103 = tpu.matmul %get3A_82, %slice3A_101, %dot_general3A_102 {dimension_numbers = #tpu.dot_dimension_numbers<[1], [1], [0], [0], [0, 0, 1, 0], [], []>, transpose_lhs_hint = false} : vector<1x128xf32>, vector<128x128xf32>, vector<1x128xf32> -> vector<1x128xf32>
    %slice3A_104 = vector.extract_strided_slice %max3A_79 {offsets = [896, 0], sizes = [128, 128], strides = [1, 1]} : vector<4096x128xf32> to vector<128x128xf32>
    %dot_general3A_105 = arith.constant dense<0.000000e+00> : vector<1x128xf32>
    %dot_general3A_106 = tpu.matmul %get3A_82, %slice3A_104, %dot_general3A_105 {dimension_numbers = #tpu.dot_dimension_numbers<[1], [1], [0], [0], [0, 0, 1, 0], [], []>, transpose_lhs_hint = false} : vector<1x128xf32>, vector<128x128xf32>, vector<1x128xf32> -> vector<1x128xf32>
    %slice3A_107 = vector.extract_strided_slice %max3A_79 {offsets = [1024, 0], sizes = [128, 128], strides = [1, 1]} : vector<4096x128xf32> to vector<128x128xf32>
    %dot_general3A_108 = arith.constant dense<0.000000e+00> : vector<1x128xf32>
    %dot_general3A_109 = tpu.matmul %get3A_82, %slice3A_107, %dot_general3A_108 {dimension_numbers = #tpu.dot_dimension_numbers<[1], [1], [0], [0], [0, 0, 1, 0], [], []>, transpose_lhs_hint = false} : vector<1x128xf32>, vector<128x128xf32>, vector<1x128xf32> -> vector<1x128xf32>
    %slice3A_110 = vector.extract_strided_slice %max3A_79 {offsets = [1152, 0], sizes = [128, 128], strides = [1, 1]} : vector<4096x128xf32> to vector<128x128xf32>
    %dot_general3A_111 = arith.constant dense<0.000000e+00> : vector<1x128xf32>
    %dot_general3A_112 = tpu.matmul %get3A_82, %slice3A_110, %dot_general3A_111 {dimension_numbers = #tpu.dot_dimension_numbers<[1], [1], [0], [0], [0, 0, 1, 0], [], []>, transpose_lhs_hint = false} : vector<1x128xf32>, vector<128x128xf32>, vector<1x128xf32> -> vector<1x128xf32>
    %slice3A_113 = vector.extract_strided_slice %max3A_79 {offsets = [1280, 0], sizes = [128, 128], strides = [1, 1]} : vector<4096x128xf32> to vector<128x128xf32>
    %dot_general3A_114 = arith.constant dense<0.000000e+00> : vector<1x128xf32>
    %dot_general3A_115 = tpu.matmul %get3A_82, %slice3A_113, %dot_general3A_114 {dimension_numbers = #tpu.dot_dimension_numbers<[1], [1], [0], [0], [0, 0, 1, 0], [], []>, transpose_lhs_hint = false} : vector<1x128xf32>, vector<128x128xf32>, vector<1x128xf32> -> vector<1x128xf32>
    %slice3A_116 = vector.extract_strided_slice %max3A_79 {offsets = [1408, 0], sizes = [128, 128], strides = [1, 1]} : vector<4096x128xf32> to vector<128x128xf32>
    %dot_general3A_117 = arith.constant dense<0.000000e+00> : vector<1x128xf32>
    %dot_general3A_118 = tpu.matmul %get3A_82, %slice3A_116, %dot_general3A_117 {dimension_numbers = #tpu.dot_dimension_numbers<[1], [1], [0], [0], [0, 0, 1, 0], [], []>, transpose_lhs_hint = false} : vector<1x128xf32>, vector<128x128xf32>, vector<1x128xf32> -> vector<1x128xf32>
    %slice3A_119 = vector.extract_strided_slice %max3A_79 {offsets = [1536, 0], sizes = [128, 128], strides = [1, 1]} : vector<4096x128xf32> to vector<128x128xf32>
    %dot_general3A_120 = arith.constant dense<0.000000e+00> : vector<1x128xf32>
    %dot_general3A_121 = tpu.matmul %get3A_82, %slice3A_119, %dot_general3A_120 {dimension_numbers = #tpu.dot_dimension_numbers<[1], [1], [0], [0], [0, 0, 1, 0], [], []>, transpose_lhs_hint = false} : vector<1x128xf32>, vector<128x128xf32>, vector<1x128xf32> -> vector<1x128xf32>
    %slice3A_122 = vector.extract_strided_slice %max3A_79 {offsets = [1664, 0], sizes = [128, 128], strides = [1, 1]} : vector<4096x128xf32> to vector<128x128xf32>
    %dot_general3A_123 = arith.constant dense<0.000000e+00> : vector<1x128xf32>
    %dot_general3A_124 = tpu.matmul %get3A_82, %slice3A_122, %dot_general3A_123 {dimension_numbers = #tpu.dot_dimension_numbers<[1], [1], [0], [0], [0, 0, 1, 0], [], []>, transpose_lhs_hint = false} : vector<1x128xf32>, vector<128x128xf32>, vector<1x128xf32> -> vector<1x128xf32>
    %slice3A_125 = vector.extract_strided_slice %max3A_79 {offsets = [1792, 0], sizes = [128, 128], strides = [1, 1]} : vector<4096x128xf32> to vector<128x128xf32>
    %dot_general3A_126 = arith.constant dense<0.000000e+00> : vector<1x128xf32>
    %dot_general3A_127 = tpu.matmul %get3A_82, %slice3A_125, %dot_general3A_126 {dimension_numbers = #tpu.dot_dimension_numbers<[1], [1], [0], [0], [0, 0, 1, 0], [], []>, transpose_lhs_hint = false} : vector<1x128xf32>, vector<128x128xf32>, vector<1x128xf32> -> vector<1x128xf32>
    %slice3A_128 = vector.extract_strided_slice %max3A_79 {offsets = [1920, 0], sizes = [128, 128], strides = [1, 1]} : vector<4096x128xf32> to vector<128x128xf32>
    %dot_general3A_129 = arith.constant dense<0.000000e+00> : vector<1x128xf32>
    %dot_general3A_130 = tpu.matmul %get3A_82, %slice3A_128, %dot_general3A_129 {dimension_numbers = #tpu.dot_dimension_numbers<[1], [1], [0], [0], [0, 0, 1, 0], [], []>, transpose_lhs_hint = false} : vector<1x128xf32>, vector<128x128xf32>, vector<1x128xf32> -> vector<1x128xf32>
    %slice3A_131 = vector.extract_strided_slice %max3A_79 {offsets = [2048, 0], sizes = [128, 128], strides = [1, 1]} : vector<4096x128xf32> to vector<128x128xf32>
    %dot_general3A_132 = arith.constant dense<0.000000e+00> : vector<1x128xf32>
    %dot_general3A_133 = tpu.matmul %get3A_82, %slice3A_131, %dot_general3A_132 {dimension_numbers = #tpu.dot_dimension_numbers<[1], [1], [0], [0], [0, 0, 1, 0], [], []>, transpose_lhs_hint = false} : vector<1x128xf32>, vector<128x128xf32>, vector<1x128xf32> -> vector<1x128xf32>
    %slice3A_134 = vector.extract_strided_slice %max3A_79 {offsets = [2176, 0], sizes = [128, 128], strides = [1, 1]} : vector<4096x128xf32> to vector<128x128xf32>
    %dot_general3A_135 = arith.constant dense<0.000000e+00> : vector<1x128xf32>
    %dot_general3A_136 = tpu.matmul %get3A_82, %slice3A_134, %dot_general3A_135 {dimension_numbers = #tpu.dot_dimension_numbers<[1], [1], [0], [0], [0, 0, 1, 0], [], []>, transpose_lhs_hint = false} : vector<1x128xf32>, vector<128x128xf32>, vector<1x128xf32> -> vector<1x128xf32>
    %slice3A_137 = vector.extract_strided_slice %max3A_79 {offsets = [2304, 0], sizes = [128, 128], strides = [1, 1]} : vector<4096x128xf32> to vector<128x128xf32>
    %dot_general3A_138 = arith.constant dense<0.000000e+00> : vector<1x128xf32>
    %dot_general3A_139 = tpu.matmul %get3A_82, %slice3A_137, %dot_general3A_138 {dimension_numbers = #tpu.dot_dimension_numbers<[1], [1], [0], [0], [0, 0, 1, 0], [], []>, transpose_lhs_hint = false} : vector<1x128xf32>, vector<128x128xf32>, vector<1x128xf32> -> vector<1x128xf32>
    %slice3A_140 = vector.extract_strided_slice %max3A_79 {offsets = [2432, 0], sizes = [128, 128], strides = [1, 1]} : vector<4096x128xf32> to vector<128x128xf32>
    %dot_general3A_141 = arith.constant dense<0.000000e+00> : vector<1x128xf32>
    %dot_general3A_142 = tpu.matmul %get3A_82, %slice3A_140, %dot_general3A_141 {dimension_numbers = #tpu.dot_dimension_numbers<[1], [1], [0], [0], [0, 0, 1, 0], [], []>, transpose_lhs_hint = false} : vector<1x128xf32>, vector<128x128xf32>, vector<1x128xf32> -> vector<1x128xf32>
    %slice3A_143 = vector.extract_strided_slice %max3A_79 {offsets = [2560, 0], sizes = [128, 128], strides = [1, 1]} : vector<4096x128xf32> to vector<128x128xf32>
    %dot_general3A_144 = arith.constant dense<0.000000e+00> : vector<1x128xf32>
    %dot_general3A_145 = tpu.matmul %get3A_82, %slice3A_143, %dot_general3A_144 {dimension_numbers = #tpu.dot_dimension_numbers<[1], [1], [0], [0], [0, 0, 1, 0], [], []>, transpose_lhs_hint = false} : vector<1x128xf32>, vector<128x128xf32>, vector<1x128xf32> -> vector<1x128xf32>
    %slice3A_146 = vector.extract_strided_slice %max3A_79 {offsets = [2688, 0], sizes = [128, 128], strides = [1, 1]} : vector<4096x128xf32> to vector<128x128xf32>
    %dot_general3A_147 = arith.constant dense<0.000000e+00> : vector<1x128xf32>
    %dot_general3A_148 = tpu.matmul %get3A_82, %slice3A_146, %dot_general3A_147 {dimension_numbers = #tpu.dot_dimension_numbers<[1], [1], [0], [0], [0, 0, 1, 0], [], []>, transpose_lhs_hint = false} : vector<1x128xf32>, vector<128x128xf32>, vector<1x128xf32> -> vector<1x128xf32>
    %slice3A_149 = vector.extract_strided_slice %max3A_79 {offsets = [2816, 0], sizes = [128, 128], strides = [1, 1]} : vector<4096x128xf32> to vector<128x128xf32>
    %dot_general3A_150 = arith.constant dense<0.000000e+00> : vector<1x128xf32>
    %dot_general3A_151 = tpu.matmul %get3A_82, %slice3A_149, %dot_general3A_150 {dimension_numbers = #tpu.dot_dimension_numbers<[1], [1], [0], [0], [0, 0, 1, 0], [], []>, transpose_lhs_hint = false} : vector<1x128xf32>, vector<128x128xf32>, vector<1x128xf32> -> vector<1x128xf32>
    %slice3A_152 = vector.extract_strided_slice %max3A_79 {offsets = [2944, 0], sizes = [128, 128], strides = [1, 1]} : vector<4096x128xf32> to vector<128x128xf32>
    %dot_general3A_153 = arith.constant dense<0.000000e+00> : vector<1x128xf32>
    %dot_general3A_154 = tpu.matmul %get3A_82, %slice3A_152, %dot_general3A_153 {dimension_numbers = #tpu.dot_dimension_numbers<[1], [1], [0], [0], [0, 0, 1, 0], [], []>, transpose_lhs_hint = false} : vector<1x128xf32>, vector<128x128xf32>, vector<1x128xf32> -> vector<1x128xf32>
    %slice3A_155 = vector.extract_strided_slice %max3A_79 {offsets = [3072, 0], sizes = [128, 128], strides = [1, 1]} : vector<4096x128xf32> to vector<128x128xf32>
    %dot_general3A_156 = arith.constant dense<0.000000e+00> : vector<1x128xf32>
    %dot_general3A_157 = tpu.matmul %get3A_82, %slice3A_155, %dot_general3A_156 {dimension_numbers = #tpu.dot_dimension_numbers<[1], [1], [0], [0], [0, 0, 1, 0], [], []>, transpose_lhs_hint = false} : vector<1x128xf32>, vector<128x128xf32>, vector<1x128xf32> -> vector<1x128xf32>
    %slice3A_158 = vector.extract_strided_slice %max3A_79 {offsets = [3200, 0], sizes = [128, 128], strides = [1, 1]} : vector<4096x128xf32> to vector<128x128xf32>
    %dot_general3A_159 = arith.constant dense<0.000000e+00> : vector<1x128xf32>
    %dot_general3A_160 = tpu.matmul %get3A_82, %slice3A_158, %dot_general3A_159 {dimension_numbers = #tpu.dot_dimension_numbers<[1], [1], [0], [0], [0, 0, 1, 0], [], []>, transpose_lhs_hint = false} : vector<1x128xf32>, vector<128x128xf32>, vector<1x128xf32> -> vector<1x128xf32>
    %slice3A_161 = vector.extract_strided_slice %max3A_79 {offsets = [3328, 0], sizes = [128, 128], strides = [1, 1]} : vector<4096x128xf32> to vector<128x128xf32>
    %dot_general3A_162 = arith.constant dense<0.000000e+00> : vector<1x128xf32>
    %dot_general3A_163 = tpu.matmul %get3A_82, %slice3A_161, %dot_general3A_162 {dimension_numbers = #tpu.dot_dimension_numbers<[1], [1], [0], [0], [0, 0, 1, 0], [], []>, transpose_lhs_hint = false} : vector<1x128xf32>, vector<128x128xf32>, vector<1x128xf32> -> vector<1x128xf32>
    %slice3A_164 = vector.extract_strided_slice %max3A_79 {offsets = [3456, 0], sizes = [128, 128], strides = [1, 1]} : vector<4096x128xf32> to vector<128x128xf32>
    %dot_general3A_165 = arith.constant dense<0.000000e+00> : vector<1x128xf32>
    %dot_general3A_166 = tpu.matmul %get3A_82, %slice3A_164, %dot_general3A_165 {dimension_numbers = #tpu.dot_dimension_numbers<[1], [1], [0], [0], [0, 0, 1, 0], [], []>, transpose_lhs_hint = false} : vector<1x128xf32>, vector<128x128xf32>, vector<1x128xf32> -> vector<1x128xf32>
    %slice3A_167 = vector.extract_strided_slice %max3A_79 {offsets = [3584, 0], sizes = [128, 128], strides = [1, 1]} : vector<4096x128xf32> to vector<128x128xf32>
    %dot_general3A_168 = arith.constant dense<0.000000e+00> : vector<1x128xf32>
    %dot_general3A_169 = tpu.matmul %get3A_82, %slice3A_167, %dot_general3A_168 {dimension_numbers = #tpu.dot_dimension_numbers<[1], [1], [0], [0], [0, 0, 1, 0], [], []>, transpose_lhs_hint = false} : vector<1x128xf32>, vector<128x128xf32>, vector<1x128xf32> -> vector<1x128xf32>
    %slice3A_170 = vector.extract_strided_slice %max3A_79 {offsets = [3712, 0], sizes = [128, 128], strides = [1, 1]} : vector<4096x128xf32> to vector<128x128xf32>
    %dot_general3A_171 = arith.constant dense<0.000000e+00> : vector<1x128xf32>
    %dot_general3A_172 = tpu.matmul %get3A_82, %slice3A_170, %dot_general3A_171 {dimension_numbers = #tpu.dot_dimension_numbers<[1], [1], [0], [0], [0, 0, 1, 0], [], []>, transpose_lhs_hint = false} : vector<1x128xf32>, vector<128x128xf32>, vector<1x128xf32> -> vector<1x128xf32>
    %slice3A_173 = vector.extract_strided_slice %max3A_79 {offsets = [3840, 0], sizes = [128, 128], strides = [1, 1]} : vector<4096x128xf32> to vector<128x128xf32>
    %dot_general3A_174 = arith.constant dense<0.000000e+00> : vector<1x128xf32>
    %dot_general3A_175 = tpu.matmul %get3A_82, %slice3A_173, %dot_general3A_174 {dimension_numbers = #tpu.dot_dimension_numbers<[1], [1], [0], [0], [0, 0, 1, 0], [], []>, transpose_lhs_hint = false} : vector<1x128xf32>, vector<128x128xf32>, vector<1x128xf32> -> vector<1x128xf32>
    %slice3A_176 = vector.extract_strided_slice %max3A_79 {offsets = [3968, 0], sizes = [128, 128], strides = [1, 1]} : vector<4096x128xf32> to vector<128x128xf32>
    %dot_general3A_177 = arith.constant dense<0.000000e+00> : vector<1x128xf32>
    %dot_general3A_178 = tpu.matmul %get3A_82, %slice3A_176, %dot_general3A_177 {dimension_numbers = #tpu.dot_dimension_numbers<[1], [1], [0], [0], [0, 0, 1, 0], [], []>, transpose_lhs_hint = false} : vector<1x128xf32>, vector<128x128xf32>, vector<1x128xf32> -> vector<1x128xf32>
    %concatenate3A_179 = tpu.concatenate %dot_general3A_85, %dot_general3A_88, %dot_general3A_91, %dot_general3A_94, %dot_general3A_97, %dot_general3A_100, %dot_general3A_103, %dot_general3A_106, %dot_general3A_109, %dot_general3A_112, %dot_general3A_115, %dot_general3A_118, %dot_general3A_121, %dot_general3A_124, %dot_general3A_127, %dot_general3A_130, %dot_general3A_133, %dot_general3A_136, %dot_general3A_139, %dot_general3A_142, %dot_general3A_145, %dot_general3A_148, %dot_general3A_151, %dot_general3A_154, %dot_general3A_157, %dot_general3A_160, %dot_general3A_163, %dot_general3A_166, %dot_general3A_169, %dot_general3A_172, %dot_general3A_175, %dot_general3A_178 in 0 : vector<1x128xf32>, vector<1x128xf32>, vector<1x128xf32>, vector<1x128xf32>, vector<1x128xf32>, vector<1x128xf32>, vector<1x128xf32>, vector<1x128xf32>, vector<1x128xf32>, vector<1x128xf32>, vector<1x128xf32>, vector<1x128xf32>, vector<1x128xf32>, vector<1x128xf32>, vector<1x128xf32>, vector<1x128xf32>, vector<1x128xf32>, vector<1x128xf32>, vector<1x128xf32>, vector<1x128xf32>, vector<1x128xf32>, vector<1x128xf32>, vector<1x128xf32>, vector<1x128xf32>, vector<1x128xf32>, vector<1x128xf32>, vector<1x128xf32>, vector<1x128xf32>, vector<1x128xf32>, vector<1x128xf32>, vector<1x128xf32>, vector<1x128xf32> -> vector<32x128xf32>
    %get3A_180 = arith.constant 0 : index
    %get3A_181 = arith.constant 0 : index
    %get3A_182 = memref.load %arg15[%get3A_180, %get3A_181] : memref<1x1xf32, #tpu.memory_space<smem>>
    %add3A_183 = vector.broadcast %get3A_182 : f32 to vector<32x128xf32>
    %add3A_184 = arith.addf %concatenate3A_179, %add3A_183 : vector<32x128xf32>
    %swap3A = arith.constant 0 : index
    %swap3A_185 = arith.constant 0 : index
    %swap3A_186 = vector.load %arg16[%swap3A, %swap3A_185] : memref<32x128xf32, #tpu.memory_space<vmem>>, vector<32x128xf32>
    tpu.vector_store %arg16[%swap3A, %swap3A_185], %add3A_184 {strides = array<i32>} : memref<32x128xf32, #tpu.memory_space<vmem>>, vector<32x128xf32>,
    return
  }
  func.func @transform_0(%arg0: i32) -> (i32, i32) {
    %add3A = arith.constant 0 : i32
    %add3A_0 = arith.addi %add3A, %arg0 : i32
    %c0_i32 = arith.constant 0 : i32
    %c0_i32_1 = arith.constant 0 : i32
    return %add3A_0, %c0_i32 : i32, i32
  }
  func.func @transform_1(%arg0: i32) -> (i32, i32) {
    %c0_i32 = arith.constant 0 : i32
    %c0_i32_0 = arith.constant 0 : i32
    return %arg0, %c0_i32 : i32, i32
  }
  func.func @transform_2(%arg0: i32) -> (i32, i32) {
    %c0_i32 = arith.constant 0 : i32
    %c0_i32_0 = arith.constant 0 : i32
    return %arg0, %c0_i32 : i32, i32
  }
  func.func @transform_3(%arg0: i32) -> (i32, i32) {
    %c0_i32 = arith.constant 0 : i32
    %c0_i32_0 = arith.constant 0 : i32
    %c0_i32_1 = arith.constant 0 : i32
    return %c0_i32, %c0_i32_0 : i32, i32
  }
  func.func @transform_4(%arg0: i32) -> (i32, i32) {
    %c0_i32 = arith.constant 0 : i32
    %c0_i32_0 = arith.constant 0 : i32
    %c0_i32_1 = arith.constant 0 : i32
    return %c0_i32, %c0_i32_0 : i32, i32
  }
  func.func @transform_5(%arg0: i32) -> (i32, i32) {
    %c0_i32 = arith.constant 0 : i32
    %c0_i32_0 = arith.constant 0 : i32
    %c0_i32_1 = arith.constant 0 : i32
    return %c0_i32, %c0_i32_0 : i32, i32
  }
  func.func @transform_6(%arg0: i32) -> (i32, i32) {
    %c0_i32 = arith.constant 0 : i32
    %c0_i32_0 = arith.constant 0 : i32
    %c0_i32_1 = arith.constant 0 : i32
    return %c0_i32, %c0_i32_0 : i32, i32
  }
  func.func @transform_7(%arg0: i32) -> (i32, i32) {
    %c0_i32 = arith.constant 0 : i32
    %c0_i32_0 = arith.constant 0 : i32
    %c0_i32_1 = arith.constant 0 : i32
    return %c0_i32, %c0_i32_0 : i32, i32
  }
  func.func @transform_8(%arg0: i32) -> (i32, i32) {
    %c0_i32 = arith.constant 0 : i32
    %c0_i32_0 = arith.constant 0 : i32
    %c0_i32_1 = arith.constant 0 : i32
    return %c0_i32, %c0_i32_0 : i32, i32
  }
  func.func @transform_9(%arg0: i32) -> (i32, i32) {
    %c0_i32 = arith.constant 0 : i32
    %c0_i32_0 = arith.constant 0 : i32
    %c0_i32_1 = arith.constant 0 : i32
    return %c0_i32, %c0_i32_0 : i32, i32
  }
  func.func @transform_10(%arg0: i32) -> (i32, i32) {
    %c0_i32 = arith.constant 0 : i32
    %c0_i32_0 = arith.constant 0 : i32
    %c0_i32_1 = arith.constant 0 : i32
    return %c0_i32, %c0_i32_0 : i32, i32
  }
  func.func @transform_11(%arg0: i32) -> (i32, i32) {
    %c0_i32 = arith.constant 0 : i32
    %c0_i32_0 = arith.constant 0 : i32
    %c0_i32_1 = arith.constant 0 : i32
    return %c0_i32, %c0_i32_0 : i32, i32
  }
  func.func @transform_12(%arg0: i32) -> (i32, i32) {
    %c0_i32 = arith.constant 0 : i32
    %c0_i32_0 = arith.constant 0 : i32
    %c0_i32_1 = arith.constant 0 : i32
    return %c0_i32, %c0_i32_0 : i32, i32
  }
  func.func @transform_13(%arg0: i32) -> (i32, i32) {
    %c0_i32 = arith.constant 0 : i32
    %c0_i32_0 = arith.constant 0 : i32
    %c0_i32_1 = arith.constant 0 : i32
    return %c0_i32, %c0_i32_0 : i32, i32
  }
  func.func @transform_14(%arg0: i32) -> (i32, i32) {
    %c0_i32 = arith.constant 0 : i32
    %c0_i32_0 = arith.constant 0 : i32
    %c0_i32_1 = arith.constant 0 : i32
    return %c0_i32, %c0_i32_0 : i32, i32
  }
  func.func @transform_15(%arg0: i32) -> (i32, i32) {
    %c0_i32 = arith.constant 0 : i32
    %c0_i32_0 = arith.constant 0 : i32
    return %arg0, %c0_i32 : i32, i32
  }
}

</mosaic_0001>

<sc_bundles>
// kernel: kernel.6.cloned.1.call-start
scs
__scs_entry_jumppad:
0x0: {  	(pc) =	sbr.rel $0x88, $3  }
0x1: {  	(tag) =	ssettag $0x0;
	lr =	simm.s32 $0x1  }
0x2: {  	[smem:$0x3F8D] =	sst lr;
	_ =	strace $0xD0000000  }
0x3: {  	_ = 	snop  }
0x4: {  	_ = 	snop  }
0x5: {  	_ = 	snop  }
0x6: {  	_ = 	snop  }
0x7: {  	_ = 	snop  }
__scs_overlays_trampoline_lowered:
0x8: {  	[smem:$0x3F9C] =	sst s0  }
0x9: {  	[smem:$0x3F9D] =	sst s1  }
0xa: {  	[smem:$0x3F9E] =	sst s2  }
0xb: {  	[smem:$0x3F9F] =	sst s3  }
0xc: {  	[smem:$0x3FA0] =	sst s4  }
0xd: {  	[smem:$0x3FA1] =	sst s5  }
0xe: {  	[smem:$0x3FA2] =	sst s6  }
0xf: {  	[smem:$0x3FA3] =	sst s7  }
0x10: {  	[smem:$0x3FA4] =	sst s8  }
0x11: {  	[smem:$0x3FA5] =	sst s9;
	s0 =	simm.s32 @!p0 $0x0  }
0x12: {  	s1 =	sld [smem:$0x3F8B];
	s0 =	simm.s32 @p0 $0x1  }
0x13: {  	[smem:$0x3FA6] =	sst s0;
	s0 =	simm.s32 @!p1 $0x0  }
0x14: {  	s2 =	sld [smem:$0x3F8A];
	s0 =	simm.s32 @p1 $0x1  }
0x15: {  	[smem:$0x3FA7] =	sst s0;
	s0 =	simm.s32 @!p2 $0x0  }
0x16: {  	s3 =	sld [smem:$0x3FDB];
	s0 =	simm.s32 @p2 $0x1  }
0x17: {  	s4 =	simm.s32 $0x1BF5;
	[smem:$0x3FA9] =	sst s0  }
0x18: {  	s0 =	sld [smem:$0x3F8C];
	_ =	swait.ge [sflag:s4], $0x0  }
0x19: {  	s7 =	sld [smem:$0x3F8D]  }
0x1a: {  	s8 =	sadd.s32 $0xFFFFE003, lr  }
0x1b: {  	s9 =	sadd.s32 $0xFFFFFEF7, lr;
	s5 =	simm.s32 $0xFFFFFFFF;
	p2 =	slt.u32 s8, $0xFFFFF086  }
0x1c: {  	p1 =	slt.u32 s9, $0xF7A;
	s5 =	simm.s32 @!p2 $0x0  }
0x1d: {  	s5 =	simm.s32 @p1 $0x1;
	p0 =	seq.s32 s7, s2  }
0x1e: {  	s7 =	smul.u32 @!p0 $0xF7A, s2;
	p2 =	seq.s32 @!p0 s5, $0x0  }
0x1f: {  	s9 =	smul.u32 $0xF7A, s1;
	s8 =	simm.s32 @!p0 $0x1BF5;
	p2 =	por !p2, p0  }
0x20: {  	[sflag:s8] =	ssyncset.s32 @!p0 $0xFFFFF086;
	s6 =	sadd.s32 @!p0 s3, s7;
	s7 =	simm.s32 @!p0 $0x108  }
0x21: {  	s3 =	sadd.s32 s3, s9;
	s6 =	sadd.s32 @!p0 $0x88, s6;
	s7 =	simm.s32 @p2 $0x1082  }
0x22: {  	[simem:s7], [sflag:s8] =	dma.local @!p0 [hbm:s6], $0xF7A  }
0x23: {  	s9 =	sor.u32 $0xD0000000, s2;
	s6 =	simm.s32 $0x108;
	_ =	swait.ge @!p0 [sflag:s8], $0x0  }
0x24: {  	s3 =	sadd.s32 $0x88, s3;
	s6 =	simm.s32 @!p1 $0x1082;
	[sflag:s4] =	ssyncset.s32 $0xFFFFF086  }
0x25: {  	[simem:s6], [sflag:s4] =	dma.local [hbm:s3], $0xF7A  }
0x26: {  	[smem:$0x3F8D] =	sst s1;
	(tag) =	ssettag s2;
	_ =	strace s9  }
0x27: {  	s1 =	sld [smem:$0x3F9D]  }
0x28: {  	s2 =	sld [smem:$0x3F9E]  }
0x29: {  	s4 =	sld [smem:$0x3FA0]  }
0x2a: {  	p0 =	seq.s32 s5, $0x0;
	s5 =	sld [smem:$0x3FA1]  }
0x2b: {  	s6 =	sld [smem:$0x3FA2]  }
0x2c: {  	s7 =	sld [smem:$0x3FA3]  }
0x2d: {  	s3 =	simm.s32 $0x108;
	s8 =	sld [smem:$0x3FA4]  }
0x2e: {  	s3 =	simm.s32 @!p0 $0x1082;
	s9 =	sld [smem:$0x3FA5]  }
0x2f: {  	lr =	sadd.s32 s0, s3;
	s0 =	sld [smem:$0x3F9C]  }
0x30: {  	s3 =	sld [smem:$0x3F9F]  }
0x31: {  	[smem:$0x3FA8] =	sst s10  }
0x32: {  	s10 =	sld [smem:$0x3FA6];
	_ =	sdelay $0x3  }
0x33: {  	p0 =	seq.s32 s10, $0x1;
	s10 =	sld [smem:$0x3FA8];
	_ =	sdelay $0x3  }
0x34: {  	[smem:$0x3FA8] =	sst s10  }
0x35: {  	s10 =	sld [smem:$0x3FA7];
	_ =	sdelay $0x3  }
0x36: {  	p1 =	seq.s32 s10, $0x1;
	s10 =	sld [smem:$0x3FA8];
	_ =	sdelay $0x3  }
0x37: {  	[smem:$0x3FA8] =	sst s10  }
0x38: {  	s10 =	sld [smem:$0x3FA9]  }
0x39: {  	_ = 	snop;
	(pc) =	sbr.ind lr, $3  }
0x3a: {  	_ = 	snop  }
0x3b: {  	_ = 	snop  }
0x3c: {  	p2 =	seq.s32 s10, $0x1;
	s10 =	sld [smem:$0x3FA8]  }
0x3d: {  	_ =	shalt  }
0x3e: {  	_ =	shalt  }
0x3f: {  	_ =	shalt  }
0x40: {  	_ =	shalt  }
0x41: {  	_ =	shalt  }
0x42: {  	_ =	shalt  }
0x43: {  	_ =	shalt  }
0x44: {  	_ =	shalt  }
0x45: {  	_ =	shalt  }
0x46: {  	_ =	shalt  }
0x47: {  	_ =	shalt  }
0x48: {  	_ =	shalt  }
0x49: {  	_ =	shalt  }
0x4a: {  	_ =	shalt  }
0x4b: {  	_ =	shalt  }
0x4c: {  	_ =	shalt  }
0x4d: {  	_ =	shalt  }
0x4e: {  	_ =	shalt  }
0x4f: {  	_ =	shalt  }
0x50: {  	_ =	shalt  }
0x51: {  	_ =	shalt  }
0x52: {  	_ =	shalt  }
0x53: {  	_ =	shalt  }
0x54: {  	_ =	shalt  }
0x55: {  	_ =	shalt  }
0x56: {  	_ =	shalt  }
0x57: {  	_ =	shalt  }
0x58: {  	_ =	shalt  }
0x59: {  	_ =	shalt  }
0x5a: {  	_ =	shalt  }
0x5b: {  	_ =	shalt  }
0x5c: {  	_ =	shalt  }
0x5d: {  	_ =	shalt  }
0x5e: {  	_ =	shalt  }
0x5f: {  	_ =	shalt  }
0x60: {  	_ =	shalt  }
0x61: {  	_ =	shalt  }
0x62: {  	_ =	shalt  }
0x63: {  	_ =	shalt  }
0x64: {  	_ =	shalt  }
0x65: {  	_ =	shalt  }
0x66: {  	_ =	shalt  }
0x67: {  	_ =	shalt  }
0x68: {  	_ =	shalt  }
0x69: {  	_ =	shalt  }
0x6a: {  	_ =	shalt  }
0x6b: {  	_ =	shalt  }
0x6c: {  	_ =	shalt  }
0x6d: {  	_ =	shalt  }
0x6e: {  	_ =	shalt  }
0x6f: {  	_ =	shalt  }
0x70: {  	_ =	shalt  }
0x71: {  	_ =	shalt  }
0x72: {  	_ =	shalt  }
0x73: {  	_ =	shalt  }
0x74: {  	_ =	shalt  }
0x75: {  	_ =	shalt  }
0x76: {  	_ =	shalt  }
0x77: {  	_ =	shalt  }
0x78: {  	_ =	shalt  }
0x79: {  	_ =	shalt  }
0x7a: {  	_ =	shalt  }
0x7b: {  	_ =	shalt  }
0x7c: {  	_ =	shalt  }
0x7d: {  	_ =	shalt  }
0x7e: {  	_ =	shalt  }
0x7f: {  	_ =	shalt  }
0x80: {  	_ =	shalt  }
0x81: {  	_ =	shalt  }
0x82: {  	_ =	shalt  }
0x83: {  	_ =	shalt  }
0x84: {  	_ =	shalt  }
0x85: {  	_ =	shalt  }
0x86: {  	_ =	shalt  }
0x87: {  	_ =	shalt  }
.Lfunc_end0:
.L_simem_size_0:
called_computation_lowered:
.L_overlay_start_0:
0x88: {  	s2 =	sld [smem:$0x3FD9]  }
0x89: {  	s3 =	sld [smem:$0x3FFE];
	_ =	sdelay $0x1  }
0x8a: {  	s1 =	srdreg.scid  }
0x8b: {  	s0 =	sand.u32 $0x1, s1  }
0x8c: {  	s17 =	sshll.u32 s0, $0xA;
	s2 =	sadd.s32 s3, s2  }
0x8d: {  	s2 =	sadd.s32 s2, s17  }
0x8e: {  	[smem:$0x3FB4] =	sst s2  }
0x8f: {  	_ = 	snop  }
0x90: {  	s18 =	sld [smem:$0x3FC9]  }
0x91: {  	s4 =	sld [smem:$0x3FC8]  }
0x92: {  	s5 =	sld [smem:$0x3FC3]  }
0x93: {  	s6 =	sld [smem:$0x3FC2];
	(tm) =	ssettm $0x1  }
0x94: {  	s19 =	sld [smem:$0x3FFB];
	_ =	sdelay $0x3  }
0x95: {  	_ =	strace s19  }
0x96: {  	s2 =	sld [smem:$0x3FFC];
	_ =	sdelay $0x3  }
0x97: {  	_ =	strace s2  }
0x98: {  	s2 =	sld [smem:$0x3FFD];
	_ =	sdelay $0x3  }
0x99: {  	_ =	strace s2  }
0x9a: {  	_ =	strace $0x8FFFFFFF  }
0x9b: {  	s20 =	sld [smem:$0x3FDB];
	_ =	sdelay $0x1  }
0x9c: {  	s7 =	simm.s32 $_scs_section_size  }
0x9d: {  	s8 =	simm.s32 $_size__tile_overlayer_lowered;
	s9 =	simm.s32 $_tile_overlayer_lowered  }
0x9e: {  	s10 =	simm.s32 $0x1BFF;
	s21 =	sshll.u32 s9, $0x1;
	s7 =	sadd.s32 s7, s20  }
0x9f: {  	s22 =	simm.s32 $0x0;
	s8 =	sshll.u32 s8, $0x1;
	s9 =	sadd.s32 s21, s7  }
0xa0: {  	[timem:s22], [sflag:s10] =	dma.local [hbm:s9], s8  }
0xa1: {  	_ =	swait.ge [sflag:s10], s8  }
0xa2: {  	s8 =	ssub.s32 $0x0, s8;
	[sflag:s10] =	ssyncset.done $0x0  }
0xa3: {  	[sflag:s10] =	ssyncadd.s32 s8;
	_ =	sdelay $0x1  }
0xa4: {  	s23 =	simm.s32 $0x1B8B  }
0xa5: {  	_ =	swait.ge [sflag:s23], $0x1  }
0xa6: {  	[sflag:s23] =	ssyncset.done $0x0  }
0xa7: {  	[sflag:s23] =	ssyncadd.s32 $0xFFFFFFFF  }
0xa8: {  	s8 =	sld [smem:$0x0]  }
0xa9: {  	s9 =	sand.u32 $0xFFFFFFFE, s1  }
0xaa: {  	p0 =	sne.s32 s1, s9  }
0xab: {  	s9 =	sshll.u32 @p0 s9, $0xE  }
0xac: {  	s9 =	sadd.s32 @p0 $0x11B8D, s9;
	s10 =	sshll.u32 @p0 s8, $0x11  }
0xad: {  	s9 =	sor.u32 @p0 s10, s9  }
0xae: {  	[sflag:s9] =	ssyncadd.remote.s32 @p0 $0x1;
	_ =	sdelay $0x1  }
0xaf: {  	s9 =	simm.s32 @p0 $0x1B8D  }
0xb0: {  	_ =	swait.eq @p0 [sflag:s9], $0x1  }
0xb1: {  	[sflag:s9] =	ssyncadd.s32 @p0 $0xFFFFFFFF  }
0xb2: {  	s10 =	sshll.u32 @!p0 s1, $0xE  }
0xb3: {  	s10 =	sor.u32 @!p0 $0x4000, s10;
	s9 =	simm.s32 @!p0 $0x1B8D  }
0xb4: {  	s8 =	sshll.u32 @!p0 s8, $0x11;
	s10 =	sadd.s32 @!p0 $0x11B8D, s10;
	_ =	swait.eq @!p0 [sflag:s9], $0x1  }
0xb5: {  	s8 =	sor.u32 @!p0 s8, s10;
	[sflag:s9] =	ssyncadd.s32 @!p0 $0xFFFFFFFF  }
0xb6: {  	s25 =	simm.s32 $0x1B8E;
	s24 =	sld [smem:$0x3FFE];
	[sflag:s8] =	ssyncadd.remote.s32 @!p0 $0x1  }
0xb7: {  	s26 =	simm.s32 $execute0_lowered;
	[smem:$0x3FD2] =	sst s25  }
0xb8: {  	s9 =	sshll.u32 s26, $0x1;
	_ =	strace $0x80000049;
	[dreg:$0x1] =	wrdreg $0xFFFFFFFF  }
0xb9: {  	s28 =	simm.s32 $_size_execute0_lowered;
	s7 =	sadd.s32 s7, s9;
	[dreg:$0x0] =	wrdreg $0x0  }
0xba: {  	s9 =	sshll.u32 s28, $0x1;
	[dreg:$0x2] =	wrdreg s7  }
0xbb: {  	[dreg:$0x3] =	wrdreg s9  }
0xbc: {  	[dreg:$0x4] =	wrdreg $0xC0  }
0xbd: {  	_ =	task [dreg:s22], $0x5FFFF  }
0xbe: {  	[dreg:$0x1] =	wrdreg $0xFFFFFFFF  }
0xbf: {  	[dreg:$0x0] =	wrdreg $0x60  }
0xc0: {  	[dreg:$0x2] =	wrdreg s18  }
0xc1: {  	[dreg:$0x3] =	wrdreg s4  }
0xc2: {  	[dreg:$0x4] =	wrdreg s5  }
0xc3: {  	[dreg:$0x5] =	wrdreg s6  }
0xc4: {  	[dreg:$0x6] =	wrdreg s24  }
0xc5: {  	[dreg:$0x7] =	wrdreg $0x9  }
0xc6: {  	_ =	task.clear_ibuf [dreg:s22], $0x8FFFF;
	_ =	strace $0x90000049  }
0xc7: {  	s29 =	simm.s32 $0x9;
	_ =	strace $0x8000004B  }
0xc8: {  	_ =	swait.ge [sflag:s29], $0x1  }
0xc9: {  	[sflag:s29] =	ssyncadd.s32 $0xFFFFFFFF  }
0xca: {  	_ =	strace $0x9000004B  }
0xcb: {  	_ =	sfence  }
0xcc: {  	s30 =	sld [smem:$0x0];
	_ =	sdelay $0x2  }
0xcd: {  	s31 =	sshll.u32 s1, $0xD;
	s1 =	sshrl.u32 s1, $0x2  }
0xce: {  	s4 =	sand.u32 $0x4000, s31;
	s1 =	sadd.s32 s1, s30  }
0xcf: {  	s0 =	sor.u32 s4, s0;
	s1 =	sshll.u32 s1, $0x11  }
0xd0: {  	s0 =	sor.u32 s1, s0  }
0xd1: {  	s0 =	sadd.s32 $0x8F2B, s0  }
0xd2: {  	[sflag:s0] =	ssyncadd.remote.s32 $0x1  }
0xd3: {  	_ =	sfence.sel $0xFFFF  }
0xd4: {  	[dreg:$0x0] =	wrdreg $0xFFFFFFFF;
	(pc) =	sbr.abs _section_cstart, $3  }
0xd5: {  	[dreg:$0x1] =	wrdreg $0xFFFFFFFF  }
0xd6: {  	_ =	task.clear_ibuf [dreg:s22], $0x2FFFF;
	_ =	strace $0x9FFFFFFF  }
0xd7: {  	(tm) =	ssettm $0x7FFFFFFF  }
tec
execute0_lowered:
.L_overlay_start_1:
0x0: {  	(tag) =	ssettag $0x1  }
0x1: {  	s5 =	rddreg [dreg:$0x0]  }
0x2: {  	s7 =	rddreg [dreg:$0x1]  }
0x3: {  	s2 =	rddreg [dreg:$0x2]  }
0x4: {  	s3 =	rddreg [dreg:$0x3]  }
0x5: {  	s1 =	srdreg.scid;
	s0 =	stileid.u32  }
0x6: {  	s18 =	rddreg [dreg:$0x4];
	s21 =	sand.u32 $0x1, s1;
	s6 =	sshll.u32 s0, $0x1  }
0x7: {  	s4 =	simm.s32 $0x0;
	s1 =	rddreg [dreg:$0x5];
	s16 =	sor.u32 s21, s6  }
0x8: {  	[smem:$0x7FF] =	sst s4;
	s8 =	sshll.u32 s16, $0x5  }
0x9: {  	_ =	strace $0x8000004A;
	s6 =	simm.s32 $0x3;
	s5 =	sadd.s32 s5, s8  }
0xa: {  	[tilespmem:s4], [sflag:$0x3] =	stream.linear.gather [hbm4b:s5+s4], $0x100, $0x38;
	[tilespmem:$0x10200] =	vst v63  }
0xb: {  	_ =	swait.ge [sflag:s6], $0x100  }
0xc: {  	[sflag:s6] =	ssyncset.done $0x0  }
0xd: {  	s7 =	sadd.s32 s7, s8;
	s8 =	simm.s32 $0x100;
	[sflag:s6] =	ssyncadd.s32 $0xFFFFFF00  }
0xe: {  	[tilespmem:s8], [sflag:$0x3] =	stream.linear.gather [hbm4b:s7+s4], $0x100, $0x38;
	[tilespmem:$0x10200] =	vst v63  }
0xf: {  	_ =	swait.ge [sflag:s6], $0x100  }
0x10: {  	[sflag:s6] =	ssyncset.done $0x0  }
0x11: {  	s9 =	simm.s32 $0x80;
	s10 =	simm.s32 $0x200;
	[sflag:s6] =	ssyncadd.s32 $0xFFFFFF00  }
0x12: {  	[tilespmem:s10], [sflag:$0x1] =	stream.indirect.gather [hbm4b:s2+s9], $0x80, s4, s9, $0xb8;
	[tilespmem:$0x10200] =	vst v63  }
0x13: {  	s11 =	simm.s32 $0x4200  }
0x14: {  	[tilespmem:s11], [sflag:$0x1] =	stream.indirect.gather [hbm4b:s2+s9], $0x80, s9, s9, $0xb8;
	[tilespmem:$0x10200] =	vst v63  }
0x15: {  	s12 =	simm.s32 $0x8200  }
0x16: {  	[tilespmem:s12], [sflag:$0x1] =	stream.indirect.gather [hbm4b:s3+s9], $0x80, s8, s9, $0xb8;
	[tilespmem:$0x10200] =	vst v63  }
0x17: {  	s13 =	simm.s32 $0x180;
	s14 =	simm.s32 $0xC200;
	s15 =	simm.s32 $0x1  }
0x18: {  	[tilespmem:s14], [sflag:$0x1] =	stream.indirect.gather [hbm4b:s3+s9], $0x80, s13, s9, $0xb8;
	[tilespmem:$0x10200] =	vst v63  }
0x19: {  	_ =	swait.ge [sflag:s15], $0x4000  }
0x1a: {  	s17 =	sadd.s32 $0x43800, s18;
	s19 =	sshll.u32 s16, $0xC;
	[sflag:s15] =	ssyncset.done $0x0  }
0x1b: {  	s16 =	sadd.s32 s17, s19;
	[sflag:s15] =	ssyncadd.s32 $0xFFFFC000  }
0x1c: {  	[hbm4b:s16+s4] =	stream.linear.scatter [tilespmem:s10], [sflag:$0x2], $0x4000, $0x38;
	[tilespmem:$0x10200] =	vst v63  }
0x1d: {  	_ =	swait.ge [sflag:s15], $0x4000  }
0x1e: {  	s20 =	sor.u32 $0x800, s19;
	[sflag:s15] =	ssyncset.done $0x0  }
0x1f: {  	s17 =	sadd.s32 s17, s20;
	[sflag:s15] =	ssyncadd.s32 $0xFFFFC000  }
0x20: {  	[hbm4b:s17+s4] =	stream.linear.scatter [tilespmem:s11], [sflag:$0x2], $0x4000, $0x38;
	[tilespmem:$0x10200] =	vst v63  }
0x21: {  	_ =	swait.ge [sflag:s15], $0x4000  }
0x22: {  	s22 =	sadd.s32 $0x63800, s18;
	[sflag:s15] =	ssyncset.done $0x0  }
0x23: {  	s18 =	sadd.s32 s22, s19;
	[sflag:s15] =	ssyncadd.s32 $0xFFFFC000  }
0x24: {  	[hbm4b:s18+s4] =	stream.linear.scatter [tilespmem:s12], [sflag:$0x2], $0x4000, $0x38;
	[tilespmem:$0x10200] =	vst v63  }
0x25: {  	_ =	swait.ge [sflag:s15], $0x4000  }
0x26: {  	[sflag:s15] =	ssyncset.done $0x0  }
0x27: {  	s19 =	simm.s32 $0x2;
	s20 =	sadd.s32 s22, s20;
	[sflag:s15] =	ssyncadd.s32 $0xFFFFC000  }
0x28: {  	[hbm4b:s20+s4] =	stream.linear.scatter [tilespmem:s14], [sflag:$0x2], $0x4000, $0x38;
	[tilespmem:$0x10200] =	vst v63  }
0x29: {  	_ =	swait.ge [sflag:s19], $0x4000  }
0x2a: {  	s21 =	ssub.s32 $0x2, s21;
	[sflag:s19] =	ssyncset.done $0x0  }
0x2b: {  	s31 =	sshrl.u32 s21, $0x1;
	[sflag:s19] =	ssyncadd.s32 $0xFFFFC000  }
0x2c: {  	s21 =	ssub.s32 s21, s31;
	_ =	swait.ge [sflag:s19], $0x4000  }
0x2d: {  	s21 =	smax.u32 s21, $0x1;
	[sflag:s19] =	ssyncset.done $0x0  }
0x2e: {  	p0 =	sne.s32 s21, $0x1;
	[sflag:s19] =	ssyncadd.s32 $0xFFFFC000  }
.Ltmp0:
0x2f: {  	_ =	swait.ge [sflag:s19], $0x4000;
	(pc) =	sbr.rel @!p0 .LBB2_2-.Ltmp0, $4  }
0x30: {  	[sflag:s19] =	ssyncset.done $0x0  }
0x31: {  	[sflag:s19] =	ssyncadd.s32 $0xFFFFC000  }
0x32: {  	_ =	swait.ge [sflag:s19], $0x4000  }
0x33: {  	s21 =	sadd.s32 $0xFFFFFFFF, s21;
	[sflag:s19] =	ssyncset.done $0x0  }
.LBB2_1:
0x34: {  	p0 =	sne.s32 s21, $0x1;
	s21 =	sadd.s32 $0xFFFFFFFF, s21;
	[sflag:s19] =	ssyncadd.s32 $0xFFFFC000  }
0x35: {  	[tilespmem:s4], [sflag:$0x3] =	stream.linear.gather [hbm4b:s5+s4], $0x100, $0x38;
	[tilespmem:$0x10200] =	vst v63  }
0x36: {  	_ =	swait.ge [sflag:s6], $0x100  }
0x37: {  	[sflag:s6] =	ssyncset.done $0x0  }
0x38: {  	[sflag:s6] =	ssyncadd.s32 $0xFFFFFF00  }
0x39: {  	[tilespmem:s8], [sflag:$0x3] =	stream.linear.gather [hbm4b:s7+s4], $0x100, $0x38;
	[tilespmem:$0x10200] =	vst v63  }
0x3a: {  	_ =	swait.ge [sflag:s6], $0x100  }
0x3b: {  	[sflag:s6] =	ssyncset.done $0x0  }
0x3c: {  	[sflag:s6] =	ssyncadd.s32 $0xFFFFFF00  }
0x3d: {  	[tilespmem:s10], [sflag:$0x1] =	stream.indirect.gather [hbm4b:s2+s9], $0x80, s4, s9, $0xb8;
	[tilespmem:$0x10200] =	vst v63  }
0x3e: {  	_ = 	snop  }
0x3f: {  	[tilespmem:s11], [sflag:$0x1] =	stream.indirect.gather [hbm4b:s2+s9], $0x80, s9, s9, $0xb8;
	[tilespmem:$0x10200] =	vst v63  }
0x40: {  	_ = 	snop  }
0x41: {  	[tilespmem:s12], [sflag:$0x1] =	stream.indirect.gather [hbm4b:s3+s9], $0x80, s8, s9, $0xb8;
	[tilespmem:$0x10200] =	vst v63  }
0x42: {  	_ = 	snop  }
0x43: {  	[tilespmem:s14], [sflag:$0x1] =	stream.indirect.gather [hbm4b:s3+s9], $0x80, s13, s9, $0xb8;
	[tilespmem:$0x10200] =	vst v63  }
0x44: {  	_ =	swait.ge [sflag:s15], $0x4000  }
0x45: {  	[sflag:s15] =	ssyncset.done $0x0  }
0x46: {  	[sflag:s15] =	ssyncadd.s32 $0xFFFFC000  }
0x47: {  	[hbm4b:s16+s4] =	stream.linear.scatter [tilespmem:s10], [sflag:$0x2], $0x4000, $0x38;
	[tilespmem:$0x10200] =	vst v63  }
0x48: {  	_ =	swait.ge [sflag:s15], $0x4000  }
0x49: {  	[sflag:s15] =	ssyncset.done $0x0  }
0x4a: {  	[sflag:s15] =	ssyncadd.s32 $0xFFFFC000  }
0x4b: {  	[hbm4b:s17+s4] =	stream.linear.scatter [tilespmem:s11], [sflag:$0x2], $0x4000, $0x38;
	[tilespmem:$0x10200] =	vst v63  }
0x4c: {  	_ =	swait.ge [sflag:s15], $0x4000  }
0x4d: {  	[sflag:s15] =	ssyncset.done $0x0  }
0x4e: {  	[sflag:s15] =	ssyncadd.s32 $0xFFFFC000  }
0x4f: {  	[hbm4b:s18+s4] =	stream.linear.scatter [tilespmem:s12], [sflag:$0x2], $0x4000, $0x38;
	[tilespmem:$0x10200] =	vst v63  }
0x50: {  	_ =	swait.ge [sflag:s15], $0x4000  }
0x51: {  	[sflag:s15] =	ssyncset.done $0x0  }
0x52: {  	[sflag:s15] =	ssyncadd.s32 $0xFFFFC000  }
0x53: {  	[hbm4b:s20+s4] =	stream.linear.scatter [tilespmem:s14], [sflag:$0x2], $0x4000, $0x38;
	[tilespmem:$0x10200] =	vst v63  }
0x54: {  	_ =	swait.ge [sflag:s19], $0x4000  }
0x55: {  	[sflag:s19] =	ssyncset.done $0x0  }
0x56: {  	[sflag:s19] =	ssyncadd.s32 $0xFFFFC000  }
0x57: {  	_ =	swait.ge [sflag:s19], $0x4000  }
0x58: {  	[sflag:s19] =	ssyncset.done $0x0  }
0x59: {  	[sflag:s19] =	ssyncadd.s32 $0xFFFFC000  }
.Ltmp1:
0x5a: {  	_ =	swait.ge [sflag:s19], $0x4000;
	(pc) =	sbr.rel @p0 .LBB2_1-.Ltmp1, $4  }
0x5b: {  	[sflag:s19] =	ssyncset.done $0x0  }
0x5c: {  	[sflag:s19] =	ssyncadd.s32 $0xFFFFC000  }
0x5d: {  	_ =	swait.ge [sflag:s19], $0x4000  }
0x5e: {  	[sflag:s19] =	ssyncset.done $0x0  }
.LBB2_2:
0x5f: {  	[sflag:s19] =	ssyncadd.s32 $0xFFFFC000  }
0x60: {  	_ =	sfence.sel $0x180000  }
0x61: {  	[bflag:$0x0] =	sbarrier.arrive $0xFFFF  }
0x62: {  	p0 =	sne.s32 s0, $0x0;
	_ =	strace $0x9000004A  }
0x63: {  	s0 =	sadd.s32 @!p0 $0x100000, s1;
	[bflag:$0x2] =	sbarrier.arrive $0xFFFF  }
0x64: {  	[sflag:s0] =	ssyncadd.tile.s32 @!p0 $0x1;
	_ =	shalt  }
.Lfunc_end2:
_tile_overlayer_lowered:
.L_overlay_start_2:
0x65: {  	(tag) =	ssettag $0x2  }
0x66: {  	s0 =	rddreg [dreg:$0x0];
	s2 =	stileid.u32  }
0x67: {  	s1 =	rddreg [dreg:$0x1];
	p0 =	sne.s32 s2, $0x0  }
0x68: {  	s3 =	rddreg [dreg:$0x2];
	[bflag:$0x3] =	sbarrier.arrive $0xFFFF;
	s2 =	simm.s32 @!p0 $0x1C03  }
0x69: {  	[timem:s3], [sflag:s2] =	dma.local @!p0 [hbm:s0], s1  }
0x6a: {  	s0 =	simm.s32 @!p0 $0x3  }
0x6b: {  	_ =	swait.ge @!p0 [sflag:s0], s1  }
0x6c: {  	s1 =	ssub.s32 @!p0 $0x0, s1;
	[sflag:s0] =	ssyncset.done @!p0 $0x0  }
0x6d: {  	[sflag:s0] =	ssyncadd.s32 @!p0 s1  }
0x6e: {  	[bflag:$0x3] =	sbarrier.arrive $0xFFFF  }
0x6f: {  	_ =	shalt  }

// kernel: kernel.9.cloned.1.call-start
scs
__scs_entry_jumppad:
0x0: {  	(pc) =	sbr.rel $0x88, $3  }
0x1: {  	(tag) =	ssettag $0x0;
	lr =	simm.s32 $0x1  }
0x2: {  	[smem:$0x3F8D] =	sst lr;
	_ =	strace $0xD0000000  }
0x3: {  	_ = 	snop  }
0x4: {  	_ = 	snop  }
0x5: {  	_ = 	snop  }
0x6: {  	_ = 	snop  }
0x7: {  	_ = 	snop  }
__scs_overlays_trampoline_lowered:
0x8: {  	[smem:$0x3F9C] =	sst s0  }
0x9: {  	[smem:$0x3F9D] =	sst s1  }
0xa: {  	[smem:$0x3F9E] =	sst s2  }
0xb: {  	[smem:$0x3F9F] =	sst s3  }
0xc: {  	[smem:$0x3FA0] =	sst s4  }
0xd: {  	[smem:$0x3FA1] =	sst s5  }
0xe: {  	[smem:$0x3FA2] =	sst s6  }
0xf: {  	[smem:$0x3FA3] =	sst s7  }
0x10: {  	[smem:$0x3FA4] =	sst s8  }
0x11: {  	[smem:$0x3FA5] =	sst s9;
	s0 =	simm.s32 @!p0 $0x0  }
0x12: {  	s1 =	sld [smem:$0x3F8B];
	s0 =	simm.s32 @p0 $0x1  }
0x13: {  	[smem:$0x3FA6] =	sst s0;
	s0 =	simm.s32 @!p1 $0x0  }
0x14: {  	s2 =	sld [smem:$0x3F8A];
	s0 =	simm.s32 @p1 $0x1  }
0x15: {  	[smem:$0x3FA7] =	sst s0;
	s0 =	simm.s32 @!p2 $0x0  }
0x16: {  	s3 =	sld [smem:$0x3FDB];
	s0 =	simm.s32 @p2 $0x1  }
0x17: {  	s4 =	simm.s32 $0x1BF5;
	[smem:$0x3FA9] =	sst s0  }
0x18: {  	s0 =	sld [smem:$0x3F8C];
	_ =	swait.ge [sflag:s4], $0x0  }
0x19: {  	s7 =	sld [smem:$0x3F8D]  }
0x1a: {  	s8 =	sadd.s32 $0xFFFFE003, lr  }
0x1b: {  	s9 =	sadd.s32 $0xFFFFFEF7, lr;
	s5 =	simm.s32 $0xFFFFFFFF;
	p2 =	slt.u32 s8, $0xFFFFF086  }
0x1c: {  	p1 =	slt.u32 s9, $0xF7A;
	s5 =	simm.s32 @!p2 $0x0  }
0x1d: {  	s5 =	simm.s32 @p1 $0x1;
	p0 =	seq.s32 s7, s2  }
0x1e: {  	s7 =	smul.u32 @!p0 $0xF7A, s2;
	p2 =	seq.s32 @!p0 s5, $0x0  }
0x1f: {  	s9 =	smul.u32 $0xF7A, s1;
	s8 =	simm.s32 @!p0 $0x1BF5;
	p2 =	por !p2, p0  }
0x20: {  	[sflag:s8] =	ssyncset.s32 @!p0 $0xFFFFF086;
	s6 =	sadd.s32 @!p0 s3, s7;
	s7 =	simm.s32 @!p0 $0x108  }
0x21: {  	s3 =	sadd.s32 s3, s9;
	s6 =	sadd.s32 @!p0 $0x88, s6;
	s7 =	simm.s32 @p2 $0x1082  }
0x22: {  	[simem:s7], [sflag:s8] =	dma.local @!p0 [hbm:s6], $0xF7A  }
0x23: {  	s9 =	sor.u32 $0xD0000000, s2;
	s6 =	simm.s32 $0x108;
	_ =	swait.ge @!p0 [sflag:s8], $0x0  }
0x24: {  	s3 =	sadd.s32 $0x88, s3;
	s6 =	simm.s32 @!p1 $0x1082;
	[sflag:s4] =	ssyncset.s32 $0xFFFFF086  }
0x25: {  	[simem:s6], [sflag:s4] =	dma.local [hbm:s3], $0xF7A  }
0x26: {  	[smem:$0x3F8D] =	sst s1;
	(tag) =	ssettag s2;
	_ =	strace s9  }
0x27: {  	s1 =	sld [smem:$0x3F9D]  }
0x28: {  	s2 =	sld [smem:$0x3F9E]  }
0x29: {  	s4 =	sld [smem:$0x3FA0]  }
0x2a: {  	p0 =	seq.s32 s5, $0x0;
	s5 =	sld [smem:$0x3FA1]  }
0x2b: {  	s6 =	sld [smem:$0x3FA2]  }
0x2c: {  	s7 =	sld [smem:$0x3FA3]  }
0x2d: {  	s3 =	simm.s32 $0x108;
	s8 =	sld [smem:$0x3FA4]  }
0x2e: {  	s3 =	simm.s32 @!p0 $0x1082;
	s9 =	sld [smem:$0x3FA5]  }
0x2f: {  	lr =	sadd.s32 s0, s3;
	s0 =	sld [smem:$0x3F9C]  }
0x30: {  	s3 =	sld [smem:$0x3F9F]  }
0x31: {  	[smem:$0x3FA8] =	sst s10  }
0x32: {  	s10 =	sld [smem:$0x3FA6];
	_ =	sdelay $0x3  }
0x33: {  	p0 =	seq.s32 s10, $0x1;
	s10 =	sld [smem:$0x3FA8];
	_ =	sdelay $0x3  }
0x34: {  	[smem:$0x3FA8] =	sst s10  }
0x35: {  	s10 =	sld [smem:$0x3FA7];
	_ =	sdelay $0x3  }
0x36: {  	p1 =	seq.s32 s10, $0x1;
	s10 =	sld [smem:$0x3FA8];
	_ =	sdelay $0x3  }
0x37: {  	[smem:$0x3FA8] =	sst s10  }
0x38: {  	s10 =	sld [smem:$0x3FA9]  }
0x39: {  	_ = 	snop;
	(pc) =	sbr.ind lr, $3  }
0x3a: {  	_ = 	snop  }
0x3b: {  	_ = 	snop  }
0x3c: {  	p2 =	seq.s32 s10, $0x1;
	s10 =	sld [smem:$0x3FA8]  }
0x3d: {  	_ =	shalt  }
0x3e: {  	_ =	shalt  }
0x3f: {  	_ =	shalt  }
0x40: {  	_ =	shalt  }
0x41: {  	_ =	shalt  }
0x42: {  	_ =	shalt  }
0x43: {  	_ =	shalt  }
0x44: {  	_ =	shalt  }
0x45: {  	_ =	shalt  }
0x46: {  	_ =	shalt  }
0x47: {  	_ =	shalt  }
0x48: {  	_ =	shalt  }
0x49: {  	_ =	shalt  }
0x4a: {  	_ =	shalt  }
0x4b: {  	_ =	shalt  }
0x4c: {  	_ =	shalt  }
0x4d: {  	_ =	shalt  }
0x4e: {  	_ =	shalt  }
0x4f: {  	_ =	shalt  }
0x50: {  	_ =	shalt  }
0x51: {  	_ =	shalt  }
0x52: {  	_ =	shalt  }
0x53: {  	_ =	shalt  }
0x54: {  	_ =	shalt  }
0x55: {  	_ =	shalt  }
0x56: {  	_ =	shalt  }
0x57: {  	_ =	shalt  }
0x58: {  	_ =	shalt  }
0x59: {  	_ =	shalt  }
0x5a: {  	_ =	shalt  }
0x5b: {  	_ =	shalt  }
0x5c: {  	_ =	shalt  }
0x5d: {  	_ =	shalt  }
0x5e: {  	_ =	shalt  }
0x5f: {  	_ =	shalt  }
0x60: {  	_ =	shalt  }
0x61: {  	_ =	shalt  }
0x62: {  	_ =	shalt  }
0x63: {  	_ =	shalt  }
0x64: {  	_ =	shalt  }
0x65: {  	_ =	shalt  }
0x66: {  	_ =	shalt  }
0x67: {  	_ =	shalt  }
0x68: {  	_ =	shalt  }
0x69: {  	_ =	shalt  }
0x6a: {  	_ =	shalt  }
0x6b: {  	_ =	shalt  }
0x6c: {  	_ =	shalt  }
0x6d: {  	_ =	shalt  }
0x6e: {  	_ =	shalt  }
0x6f: {  	_ =	shalt  }
0x70: {  	_ =	shalt  }
0x71: {  	_ =	shalt  }
0x72: {  	_ =	shalt  }
0x73: {  	_ =	shalt  }
0x74: {  	_ =	shalt  }
0x75: {  	_ =	shalt  }
0x76: {  	_ =	shalt  }
0x77: {  	_ =	shalt  }
0x78: {  	_ =	shalt  }
0x79: {  	_ =	shalt  }
0x7a: {  	_ =	shalt  }
0x7b: {  	_ =	shalt  }
0x7c: {  	_ =	shalt  }
0x7d: {  	_ =	shalt  }
0x7e: {  	_ =	shalt  }
0x7f: {  	_ =	shalt  }
0x80: {  	_ =	shalt  }
0x81: {  	_ =	shalt  }
0x82: {  	_ =	shalt  }
0x83: {  	_ =	shalt  }
0x84: {  	_ =	shalt  }
0x85: {  	_ =	shalt  }
0x86: {  	_ =	shalt  }
0x87: {  	_ =	shalt  }
.Lfunc_end0:
.L_simem_size_0:
called_computation.1_lowered:
.L_overlay_start_0:
0x88: {  	s2 =	sld [smem:$0x3FD9]  }
0x89: {  	s3 =	sld [smem:$0x3FFE];
	_ =	sdelay $0x1  }
0x8a: {  	s1 =	srdreg.scid  }
0x8b: {  	s0 =	sand.u32 $0x1, s1  }
0x8c: {  	s17 =	sshll.u32 s0, $0xA;
	s2 =	sadd.s32 s3, s2  }
0x8d: {  	s2 =	sadd.s32 s2, s17  }
0x8e: {  	[smem:$0x3FB4] =	sst s2  }
0x8f: {  	_ = 	snop  }
0x90: {  	s2 =	sld [smem:$0x3FC9]  }
0x91: {  	s18 =	sld [smem:$0x3FC8]  }
0x92: {  	s4 =	sld [smem:$0x3FC3]  }
0x93: {  	s5 =	sld [smem:$0x3FC2];
	(tm) =	ssettm $0x1  }
0x94: {  	s6 =	sld [smem:$0x3FFB];
	_ =	sdelay $0x3  }
0x95: {  	_ =	strace s6  }
0x96: {  	s6 =	sld [smem:$0x3FFC];
	_ =	sdelay $0x3  }
0x97: {  	_ =	strace s6  }
0x98: {  	s6 =	sld [smem:$0x3FFD];
	_ =	sdelay $0x3  }
0x99: {  	_ =	strace s6  }
0x9a: {  	_ =	strace $0x8FFFFFFF  }
0x9b: {  	s19 =	sld [smem:$0x3FDB];
	_ =	sdelay $0x1  }
0x9c: {  	s7 =	simm.s32 $_scs_section_size  }
0x9d: {  	s8 =	simm.s32 $_size__tile_overlayer_lowered;
	s9 =	simm.s32 $_tile_overlayer_lowered  }
0x9e: {  	s22 =	simm.s32 $0x1BFF;
	s21 =	sshll.u32 s9, $0x1;
	s6 =	sadd.s32 s7, s19  }
0x9f: {  	s10 =	simm.s32 $0x0;
	s20 =	sshll.u32 s8, $0x1;
	s8 =	sadd.s32 s21, s6  }
0xa0: {  	[timem:s10], [sflag:s22] =	dma.local [hbm:s8], s20  }
0xa1: {  	_ =	swait.ge [sflag:s22], s20  }
0xa2: {  	s7 =	ssub.s32 $0x0, s20;
	[sflag:s22] =	ssyncset.done $0x0  }
0xa3: {  	[sflag:s22] =	ssyncadd.s32 s7;
	_ =	sdelay $0x1  }
0xa4: {  	s23 =	simm.s32 $0x1B8B  }
0xa5: {  	_ =	swait.ge [sflag:s23], $0x1  }
0xa6: {  	[sflag:s23] =	ssyncset.done $0x0  }
0xa7: {  	s25 =	simm.s32 $0x1B8E;
	s24 =	sld [smem:$0x3FFE];
	[sflag:s23] =	ssyncadd.s32 $0xFFFFFFFF  }
0xa8: {  	s26 =	simm.s32 $execute0_lowered;
	[smem:$0x3FD2] =	sst s25  }
0xa9: {  	s8 =	sshll.u32 s26, $0x1;
	_ =	strace $0x80000046;
	[dreg:$0x1] =	wrdreg $0xFFFFFFFF  }
0xaa: {  	s28 =	simm.s32 $_size_execute0_lowered;
	s6 =	sadd.s32 s6, s8;
	[dreg:$0x0] =	wrdreg $0x0  }
0xab: {  	s8 =	sshll.u32 s28, $0x1;
	[dreg:$0x2] =	wrdreg s6  }
0xac: {  	[dreg:$0x3] =	wrdreg s8  }
0xad: {  	[dreg:$0x4] =	wrdreg $0xC0  }
0xae: {  	_ =	task [dreg:s10], $0x5FFFF  }
0xaf: {  	[dreg:$0x1] =	wrdreg $0xFFFFFFFF  }
0xb0: {  	[dreg:$0x0] =	wrdreg $0x60  }
0xb1: {  	[dreg:$0x2] =	wrdreg s2  }
0xb2: {  	[dreg:$0x3] =	wrdreg s18  }
0xb3: {  	[dreg:$0x4] =	wrdreg s4  }
0xb4: {  	[dreg:$0x5] =	wrdreg s5  }
0xb5: {  	[dreg:$0x6] =	wrdreg s24  }
0xb6: {  	[dreg:$0x7] =	wrdreg $0xA  }
0xb7: {  	_ =	task.clear_ibuf [dreg:s10], $0x8FFFF;
	_ =	strace $0x90000046  }
0xb8: {  	s29 =	simm.s32 $0xA;
	_ =	strace $0x80000048  }
0xb9: {  	_ =	swait.ge [sflag:s29], $0x1  }
0xba: {  	[sflag:s29] =	ssyncadd.s32 $0xFFFFFFFF  }
0xbb: {  	_ =	strace $0x90000048  }
0xbc: {  	_ =	sfence  }
0xbd: {  	s30 =	sld [smem:$0x0];
	_ =	sdelay $0x2  }
0xbe: {  	s31 =	sshll.u32 s1, $0xD;
	s1 =	sshrl.u32 s1, $0x2  }
0xbf: {  	s3 =	sand.u32 $0x4000, s31;
	s1 =	sadd.s32 s1, s30  }
0xc0: {  	s0 =	sor.u32 s3, s0;
	s1 =	sshll.u32 s1, $0x11  }
0xc1: {  	s0 =	sor.u32 s1, s0  }
0xc2: {  	s0 =	sadd.s32 $0x8F2B, s0  }
0xc3: {  	[sflag:s0] =	ssyncadd.remote.s32 $0x1  }
0xc4: {  	_ =	sfence.sel $0xFFFF  }
0xc5: {  	[dreg:$0x0] =	wrdreg $0xFFFFFFFF;
	(pc) =	sbr.abs _section_cstart, $3  }
0xc6: {  	[dreg:$0x1] =	wrdreg $0xFFFFFFFF  }
0xc7: {  	_ =	task.clear_ibuf [dreg:s10], $0x2FFFF;
	_ =	strace $0x9FFFFFFF  }
0xc8: {  	(tm) =	ssettm $0x7FFFFFFF  }
0xc9: {  	_ =	shalt  }
tec
execute0_lowered:
.L_overlay_start_1:
0x0: {  	(tag) =	ssettag $0x1  }
0x1: {  	s5 =	rddreg [dreg:$0x0]  }
0x2: {  	s7 =	rddreg [dreg:$0x1]  }
0x3: {  	s1 =	rddreg [dreg:$0x2]  }
0x4: {  	s2 =	srdreg.scid;
	s0 =	stileid.u32  }
0x5: {  	s3 =	rddreg [dreg:$0x3];
	s21 =	sand.u32 $0x1, s2;
	s30 =	sshll.u32 s0, $0x1  }
0x6: {  	s18 =	rddreg [dreg:$0x4];
	s16 =	sor.u32 s21, s30  }
0x7: {  	s4 =	simm.s32 $0x0;
	s2 =	rddreg [dreg:$0x5];
	s6 =	sshll.u32 s16, $0x5  }
0x8: {  	[smem:$0x7FF] =	sst s4;
	s8 =	sor.u32 $0x400, s6  }
0x9: {  	_ =	strace $0x80000047;
	s6 =	simm.s32 $0x3;
	s5 =	sadd.s32 s5, s8  }
0xa: {  	[tilespmem:s4], [sflag:$0x3] =	stream.linear.gather [hbm4b:s5+s4], $0x100, $0x38;
	[tilespmem:$0x10200] =	vst v63  }
0xb: {  	_ =	swait.ge [sflag:s6], $0x100  }
0xc: {  	[sflag:s6] =	ssyncset.done $0x0  }
0xd: {  	s7 =	sadd.s32 s7, s8;
	s8 =	simm.s32 $0x100;
	[sflag:s6] =	ssyncadd.s32 $0xFFFFFF00  }
0xe: {  	[tilespmem:s8], [sflag:$0x3] =	stream.linear.gather [hbm4b:s7+s4], $0x100, $0x38;
	[tilespmem:$0x10200] =	vst v63  }
0xf: {  	_ =	swait.ge [sflag:s6], $0x100  }
0x10: {  	[sflag:s6] =	ssyncset.done $0x0  }
0x11: {  	s9 =	simm.s32 $0x80;
	s10 =	simm.s32 $0x200;
	[sflag:s6] =	ssyncadd.s32 $0xFFFFFF00  }
0x12: {  	[tilespmem:s10], [sflag:$0x1] =	stream.indirect.gather [hbm4b:s1+s9], $0x80, s4, s9, $0xb8;
	[tilespmem:$0x10200] =	vst v63  }
0x13: {  	s11 =	simm.s32 $0x4200  }
0x14: {  	[tilespmem:s11], [sflag:$0x1] =	stream.indirect.gather [hbm4b:s1+s9], $0x80, s9, s9, $0xb8;
	[tilespmem:$0x10200] =	vst v63  }
0x15: {  	s12 =	simm.s32 $0x8200  }
0x16: {  	[tilespmem:s12], [sflag:$0x1] =	stream.indirect.gather [hbm4b:s3+s9], $0x80, s8, s9, $0xb8;
	[tilespmem:$0x10200] =	vst v63  }
0x17: {  	s13 =	simm.s32 $0x180;
	s14 =	simm.s32 $0xC200;
	s15 =	simm.s32 $0x1  }
0x18: {  	[tilespmem:s14], [sflag:$0x1] =	stream.indirect.gather [hbm4b:s3+s9], $0x80, s13, s9, $0xb8;
	[tilespmem:$0x10200] =	vst v63  }
0x19: {  	_ =	swait.ge [sflag:s15], $0x4000  }
0x1a: {  	s17 =	sadd.s32 $0x3800, s18;
	s19 =	sshll.u32 s16, $0xC;
	[sflag:s15] =	ssyncset.done $0x0  }
0x1b: {  	s16 =	sadd.s32 s17, s19;
	[sflag:s15] =	ssyncadd.s32 $0xFFFFC000  }
0x1c: {  	[hbm4b:s16+s4] =	stream.linear.scatter [tilespmem:s10], [sflag:$0x2], $0x4000, $0x38;
	[tilespmem:$0x10200] =	vst v63  }
0x1d: {  	_ =	swait.ge [sflag:s15], $0x4000  }
0x1e: {  	s20 =	sor.u32 $0x800, s19;
	[sflag:s15] =	ssyncset.done $0x0  }
0x1f: {  	s17 =	sadd.s32 s17, s20;
	[sflag:s15] =	ssyncadd.s32 $0xFFFFC000  }
0x20: {  	[hbm4b:s17+s4] =	stream.linear.scatter [tilespmem:s11], [sflag:$0x2], $0x4000, $0x38;
	[tilespmem:$0x10200] =	vst v63  }
0x21: {  	_ =	swait.ge [sflag:s15], $0x4000  }
0x22: {  	s22 =	sadd.s32 $0x23800, s18;
	[sflag:s15] =	ssyncset.done $0x0  }
0x23: {  	s18 =	sadd.s32 s22, s19;
	[sflag:s15] =	ssyncadd.s32 $0xFFFFC000  }
0x24: {  	[hbm4b:s18+s4] =	stream.linear.scatter [tilespmem:s12], [sflag:$0x2], $0x4000, $0x38;
	[tilespmem:$0x10200] =	vst v63  }
0x25: {  	_ =	swait.ge [sflag:s15], $0x4000  }
0x26: {  	[sflag:s15] =	ssyncset.done $0x0  }
0x27: {  	s19 =	simm.s32 $0x2;
	s20 =	sadd.s32 s22, s20;
	[sflag:s15] =	ssyncadd.s32 $0xFFFFC000  }
0x28: {  	[hbm4b:s20+s4] =	stream.linear.scatter [tilespmem:s14], [sflag:$0x2], $0x4000, $0x38;
	[tilespmem:$0x10200] =	vst v63  }
0x29: {  	_ =	swait.ge [sflag:s19], $0x4000  }
0x2a: {  	s21 =	ssub.s32 $0x2, s21;
	[sflag:s19] =	ssyncset.done $0x0  }
0x2b: {  	s31 =	sshrl.u32 s21, $0x1;
	[sflag:s19] =	ssyncadd.s32 $0xFFFFC000  }
0x2c: {  	s21 =	ssub.s32 s21, s31;
	_ =	swait.ge [sflag:s19], $0x4000  }
0x2d: {  	s21 =	smax.u32 s21, $0x1;
	[sflag:s19] =	ssyncset.done $0x0  }
0x2e: {  	p0 =	sne.s32 s21, $0x1;
	[sflag:s19] =	ssyncadd.s32 $0xFFFFC000  }
.Ltmp0:
0x2f: {  	_ =	swait.ge [sflag:s19], $0x4000;
	(pc) =	sbr.rel @!p0 .LBB2_2-.Ltmp0, $4  }
0x30: {  	[sflag:s19] =	ssyncset.done $0x0  }
0x31: {  	[sflag:s19] =	ssyncadd.s32 $0xFFFFC000  }
0x32: {  	_ =	swait.ge [sflag:s19], $0x4000  }
0x33: {  	s21 =	sadd.s32 $0xFFFFFFFF, s21;
	[sflag:s19] =	ssyncset.done $0x0  }
.LBB2_1:
0x34: {  	p0 =	sne.s32 s21, $0x1;
	s21 =	sadd.s32 $0xFFFFFFFF, s21;
	[sflag:s19] =	ssyncadd.s32 $0xFFFFC000  }
0x35: {  	[tilespmem:s4], [sflag:$0x3] =	stream.linear.gather [hbm4b:s5+s4], $0x100, $0x38;
	[tilespmem:$0x10200] =	vst v63  }
0x36: {  	_ =	swait.ge [sflag:s6], $0x100  }
0x37: {  	[sflag:s6] =	ssyncset.done $0x0  }
0x38: {  	[sflag:s6] =	ssyncadd.s32 $0xFFFFFF00  }
0x39: {  	[tilespmem:s8], [sflag:$0x3] =	stream.linear.gather [hbm4b:s7+s4], $0x100, $0x38;
	[tilespmem:$0x10200] =	vst v63  }
0x3a: {  	_ =	swait.ge [sflag:s6], $0x100  }
0x3b: {  	[sflag:s6] =	ssyncset.done $0x0  }
0x3c: {  	[sflag:s6] =	ssyncadd.s32 $0xFFFFFF00  }
0x3d: {  	[tilespmem:s10], [sflag:$0x1] =	stream.indirect.gather [hbm4b:s1+s9], $0x80, s4, s9, $0xb8;
	[tilespmem:$0x10200] =	vst v63  }
0x3e: {  	_ = 	snop  }
0x3f: {  	[tilespmem:s11], [sflag:$0x1] =	stream.indirect.gather [hbm4b:s1+s9], $0x80, s9, s9, $0xb8;
	[tilespmem:$0x10200] =	vst v63  }
0x40: {  	_ = 	snop  }
0x41: {  	[tilespmem:s12], [sflag:$0x1] =	stream.indirect.gather [hbm4b:s3+s9], $0x80, s8, s9, $0xb8;
	[tilespmem:$0x10200] =	vst v63  }
0x42: {  	_ = 	snop  }
0x43: {  	[tilespmem:s14], [sflag:$0x1] =	stream.indirect.gather [hbm4b:s3+s9], $0x80, s13, s9, $0xb8;
	[tilespmem:$0x10200] =	vst v63  }
0x44: {  	_ =	swait.ge [sflag:s15], $0x4000  }
0x45: {  	[sflag:s15] =	ssyncset.done $0x0  }
0x46: {  	[sflag:s15] =	ssyncadd.s32 $0xFFFFC000  }
0x47: {  	[hbm4b:s16+s4] =	stream.linear.scatter [tilespmem:s10], [sflag:$0x2], $0x4000, $0x38;
	[tilespmem:$0x10200] =	vst v63  }
0x48: {  	_ =	swait.ge [sflag:s15], $0x4000  }
0x49: {  	[sflag:s15] =	ssyncset.done $0x0  }
0x4a: {  	[sflag:s15] =	ssyncadd.s32 $0xFFFFC000  }
0x4b: {  	[hbm4b:s17+s4] =	stream.linear.scatter [tilespmem:s11], [sflag:$0x2], $0x4000, $0x38;
	[tilespmem:$0x10200] =	vst v63  }
0x4c: {  	_ =	swait.ge [sflag:s15], $0x4000  }
0x4d: {  	[sflag:s15] =	ssyncset.done $0x0  }
0x4e: {  	[sflag:s15] =	ssyncadd.s32 $0xFFFFC000  }
0x4f: {  	[hbm4b:s18+s4] =	stream.linear.scatter [tilespmem:s12], [sflag:$0x2], $0x4000, $0x38;
	[tilespmem:$0x10200] =	vst v63  }
0x50: {  	_ =	swait.ge [sflag:s15], $0x4000  }
0x51: {  	[sflag:s15] =	ssyncset.done $0x0  }
0x52: {  	[sflag:s15] =	ssyncadd.s32 $0xFFFFC000  }
0x53: {  	[hbm4b:s20+s4] =	stream.linear.scatter [tilespmem:s14], [sflag:$0x2], $0x4000, $0x38;
	[tilespmem:$0x10200] =	vst v63  }
0x54: {  	_ =	swait.ge [sflag:s19], $0x4000  }
0x55: {  	[sflag:s19] =	ssyncset.done $0x0  }
0x56: {  	[sflag:s19] =	ssyncadd.s32 $0xFFFFC000  }
0x57: {  	_ =	swait.ge [sflag:s19], $0x4000  }
0x58: {  	[sflag:s19] =	ssyncset.done $0x0  }
0x59: {  	[sflag:s19] =	ssyncadd.s32 $0xFFFFC000  }
.Ltmp1:
0x5a: {  	_ =	swait.ge [sflag:s19], $0x4000;
	(pc) =	sbr.rel @p0 .LBB2_1-.Ltmp1, $4  }
0x5b: {  	[sflag:s19] =	ssyncset.done $0x0  }
0x5c: {  	[sflag:s19] =	ssyncadd.s32 $0xFFFFC000  }
0x5d: {  	_ =	swait.ge [sflag:s19], $0x4000  }
0x5e: {  	[sflag:s19] =	ssyncset.done $0x0  }
.LBB2_2:
0x5f: {  	[sflag:s19] =	ssyncadd.s32 $0xFFFFC000  }
0x60: {  	_ =	sfence.sel $0x180000  }
0x61: {  	[bflag:$0x0] =	sbarrier.arrive $0xFFFF  }
0x62: {  	p0 =	sne.s32 s0, $0x0;
	_ =	strace $0x90000047  }
0x63: {  	s0 =	sadd.s32 @!p0 $0x100000, s2;
	[bflag:$0x2] =	sbarrier.arrive $0xFFFF  }
0x64: {  	[sflag:s0] =	ssyncadd.tile.s32 @!p0 $0x1;
	_ =	shalt  }
.Lfunc_end2:
_tile_overlayer_lowered:
.L_overlay_start_2:
0x65: {  	(tag) =	ssettag $0x2  }
0x66: {  	s0 =	rddreg [dreg:$0x0];
	s2 =	stileid.u32  }
0x67: {  	s1 =	rddreg [dreg:$0x1];
	p0 =	sne.s32 s2, $0x0  }
0x68: {  	s3 =	rddreg [dreg:$0x2];
	[bflag:$0x3] =	sbarrier.arrive $0xFFFF;
	s2 =	simm.s32 @!p0 $0x1C03  }
0x69: {  	[timem:s3], [sflag:s2] =	dma.local @!p0 [hbm:s0], s1  }
0x6a: {  	s0 =	simm.s32 @!p0 $0x3  }
0x6b: {  	_ =	swait.ge @!p0 [sflag:s0], s1  }
0x6c: {  	s1 =	ssub.s32 @!p0 $0x0, s1;
	[sflag:s0] =	ssyncset.done @!p0 $0x0  }
0x6d: {  	[sflag:s0] =	ssyncadd.s32 @!p0 s1  }
0x6e: {  	[bflag:$0x3] =	sbarrier.arrive $0xFFFF  }
0x6f: {  	_ =	shalt  }

</sc_bundles>
